<compile_context>
chip_gen: v7x
topology: tpu7x:2x2x1
jax: 0.10.2.dev20260603
libtpu: 0.0.44.dev20260713+nightly
codegen_flags: <defaults>
</compile_context>

<pallas_src>
import functools

import jax
import jax.numpy as jnp
from jax import lax
from jax.experimental import pallas as pl
from jax.experimental.pallas import tpu as pltpu
from jax.experimental.pallas import tpu_sc as plsc

N_OBVS_P1 = 10000
N_ROWS = 16384
ROW = 200
N_TOTAL = N_ROWS * ROW

_info = plsc.get_sparse_core_info()
_NC, _NS, _L = _info.num_cores, _info.num_subcores, _info.num_lanes
_NW = _NC * _NS
_ROWS_PER_TILE = N_ROWS // _NW
_CROWS = 64
_CHUNK = _CROWS * ROW
_N_CHUNKS = _ROWS_PER_TILE // _CROWS

_CS_READ = tuple(range(0, ROW - _L, _L)) + (ROW - _L,)

_mesh = plsc.VectorSubcoreMesh(core_axis_name="c", subcore_axis_name="s")


@functools.partial(
    pl.kernel,
    out_type=jax.ShapeDtypeStruct((N_TOTAL,), jnp.float32),
    mesh=_mesh,
    scratch_types=[
        pltpu.VMEM((_CROWS, ROW), jnp.int32),
        pltpu.VMEM((_CROWS, ROW), jnp.int32),
        pltpu.VMEM((_CROWS, ROW), jnp.int32),
        pltpu.VMEM((_CROWS, ROW), jnp.int32),
        pltpu.VMEM((_CHUNK,), jnp.int32),
        pltpu.VMEM((_CHUNK,), jnp.int32),
        pltpu.VMEM((_CHUNK,), jnp.float32),
        pltpu.VMEM((_CHUNK,), jnp.float32),
        pltpu.SemaphoreType.DMA,
        pltpu.SemaphoreType.DMA,
        pltpu.SemaphoreType.DMA,
        pltpu.SemaphoreType.DMA,
        pltpu.SemaphoreType.DMA,
        pltpu.SemaphoreType.DMA,
    ],
)
def _sc_emission(table_hbm, state_hbm, obs_hbm, out_hbm,
                 s0, s1, o0, o1, i0, i1, g0, g1,
                 in_sem0, in_sem1, g_sem0, g_sem1, wb_sem0, wb_sem1):
    s = (s0, s1)
    o = (o0, o1)
    idx = (i0, i1)
    g = (g0, g1)
    in_sem = (in_sem0, in_sem1)
    g_sem = (g_sem0, g_sem1)
    wb_sem = (wb_sem0, wb_sem1)
    sc = lax.axis_index("c")
    tid = lax.axis_index("s")
    wid = tid * _NC + sc
    row_base = wid * _ROWS_PER_TILE

    def start_in(p, c):
        rw = row_base + c * _CROWS
        pltpu.async_copy(state_hbm.at[pl.ds(rw, _CROWS), :], s[p], in_sem[p])
        pltpu.async_copy(obs_hbm.at[pl.ds(rw, _CROWS), :], o[p], in_sem[p])

    def wait_in(p):
        pltpu.make_async_copy(
            state_hbm.at[pl.ds(0, _CROWS), :], s[p], in_sem[p]).wait()
        pltpu.make_async_copy(
            obs_hbm.at[pl.ds(0, _CROWS), :], o[p], in_sem[p]).wait()

    def start_gather(p):
        pltpu.async_copy(table_hbm.at[idx[p]], g[p], g_sem[p])

    def wait_gather(p):
        pltpu.make_async_copy(table_hbm.at[idx[p]], g[p], g_sem[p]).wait()

    def start_wb(p, c):
        off = (row_base + c * _CROWS) * ROW
        pltpu.async_copy(g[p], out_hbm.at[pl.ds(off, _CHUNK)], wb_sem[p])

    def wait_wb(p):
        pltpu.make_async_copy(
            g[p], out_hbm.at[pl.ds(0, _CHUNK)], wb_sem[p]).wait()

    def idx_pass(p):
        sb, ob, ib = s[p], o[p], idx[p]

        @plsc.parallel_loop(0, _CROWS, step=1, unroll=2)
        def _(r):
            for cs in _CS_READ:
                sv = sb[r, pl.ds(cs, _L)]
                ov = ob[r, pl.ds(cs, _L)]
                ib[pl.ds(r * ROW + cs, _L)] = sv * N_OBVS_P1 + ov

    start_in(0, 0)
    start_in(1, 1)

    def pair(i, carry):
        c0 = 2 * i
        c1 = c0 + 1
        wait_in(0)
        idx_pass(0)

        @pl.when(c0 + 2 < _N_CHUNKS)
        def _():
            start_in(0, c0 + 2)

        @pl.when(i > 0)
        def _():
            wait_gather(1)
            start_wb(1, c0 - 1)
            wait_wb(0)

        start_gather(0)
        wait_in(1)
        idx_pass(1)

        @pl.when(c1 + 2 < _N_CHUNKS)
        def _():
            start_in(1, c1 + 2)

        wait_gather(0)
        start_wb(0, c0)

        @pl.when(i > 0)
        def _():
            wait_wb(1)

        start_gather(1)
        return carry

    lax.fori_loop(0, _N_CHUNKS // 2, pair, 0)

    last = _N_CHUNKS - 1
    wait_gather(1)
    start_wb(1, last)
    wait_wb(0)
    wait_wb(1)


def kernel(state, obs, log_em):
    out = _sc_emission((log_em + 0.0).reshape(-1), state, obs)
    return out.reshape(state.shape)

# --- scband reference (transcript-rebuilt; emitter-appended) ---
"""Pipeline reference for scband-categorical-emission-62517543961018 (READ-ONLY COPY).

The authoritative reference and input builder live on the scoring server;
editing this copy changes nothing except your own understanding.
"""

import jax, jax.numpy as jnp
import numpy as np

N_STATES = 1023
N_OBVS = 9999


def _build_log_em():
    ns = 1 + N_STATES
    no = 1 + N_OBVS
    eye = jnp.eye(ns, no, dtype=jnp.float32)
    log_em = jnp.clip(jnp.log(eye), -99.0, 99.0)
    log_em = log_em.at[0, :].set(-99.0)
    log_em = log_em.at[0, 0].set(0.0)
    log_em = jax.nn.log_softmax(log_em, axis=1)
    return log_em


def setup_inputs(seed: int = 0) -> dict:
    key = jax.random.key(seed)
    k1, k2 = jax.random.split(key)
    state = jax.random.randint(k1, (16384, 200), 0, 1 + N_STATES, dtype=jnp.int64 if jax.config.jax_enable_x64 else jnp.int32).astype(jnp.int32)
    obs = jax.random.randint(k2, (16384, 200), 0, 1 + N_OBVS, dtype=jnp.int64 if jax.config.jax_enable_x64 else jnp.int32).astype(jnp.int32)
    log_em = _build_log_em()
    return {"state": state, "obs": obs, "log_em": log_em}


def reference(state, obs, log_em):
    # CategoricalEmission.emission(state, obs) with both given:
    # advanced indexing gather log_em[state, obs]
    return log_em[state, obs]

if __name__ == "__main__":
    import jax
    _d = setup_inputs()
    print(jax.jit(kernel)(*tuple(_d.values())))

</pallas_src>

<mosaic_0001>
#map = affine_map<(d0, d1) -> (0)>
#map1 = affine_map<(d0, d1) -> (0, 0)>
module attributes {stable_mosaic.version = 14 : i64} {
  func.func @_sc_emission(%arg0: i32, %arg1: i32, %arg2: memref<10240000xf32, #tpu.memory_space<hbm>>, %arg3: memref<16384x200xi32, #tpu.memory_space<hbm>>, %arg4: memref<16384x200xi32, #tpu.memory_space<hbm>>, %arg5: memref<3276800xf32, #tpu.memory_space<hbm>>, %arg6: memref<64x200xi32, #tpu.memory_space<vmem>>, %arg7: memref<64x200xi32, #tpu.memory_space<vmem>>, %arg8: memref<64x200xi32, #tpu.memory_space<vmem>>, %arg9: memref<64x200xi32, #tpu.memory_space<vmem>>, %arg10: memref<12800xi32, #tpu.memory_space<vmem>>, %arg11: memref<12800xi32, #tpu.memory_space<vmem>>, %arg12: memref<12800xf32, #tpu.memory_space<vmem>>, %arg13: memref<12800xf32, #tpu.memory_space<vmem>>, %arg14: memref<!tpu.dma_semaphore, #tpu.memory_space<semaphore_mem>>, %arg15: memref<!tpu.dma_semaphore, #tpu.memory_space<semaphore_mem>>, %arg16: memref<!tpu.dma_semaphore, #tpu.memory_space<semaphore_mem>>, %arg17: memref<!tpu.dma_semaphore, #tpu.memory_space<semaphore_mem>>, %arg18: memref<!tpu.dma_semaphore, #tpu.memory_space<semaphore_mem>>, %arg19: memref<!tpu.dma_semaphore, #tpu.memory_space<semaphore_mem>>) attributes {dimension_semantics = [#tpu.dimension_semantics<core_parallel>, #tpu.dimension_semantics<subcore_parallel>], iteration_bounds = array<i64: 2, 16>, scalar_prefetch = 0 : i64, scratch_operands = 14 : i64, tpu.core_type = #tpu.core_type<sc_vector_subcore>, window_params = [{transform_indices = #map}, {transform_indices = #map1}, {transform_indices = #map1}, {transform_indices = #map}]} {
    %mul3A = arith.constant 2 : i32
    %mul3A_0 = arith.muli %arg1, %mul3A : i32
    %add3A = arith.addi %mul3A_0, %arg0 : i32
    %mul3A_1 = arith.constant 512 : i32
    %mul3A_2 = arith.muli %add3A, %mul3A_1 : i32
    %add3A_3 = arith.constant 0 : i32
    %add3A_4 = arith.addi %mul3A_2, %add3A_3 : i32
    %dma_start3A = arith.constant 0 : i32
    %dma_start3A_5 = tpu.memref_slice %arg3[%add3A_4, %dma_start3A] : memref<16384x200xi32, #tpu.memory_space<hbm>> -> memref<64x200xi32, #tpu.memory_space<hbm>>
    %dma_start3A_6 = arith.constant 0 : i32
    %dma_start3A_7 = tpu.memref_slice %arg3[%add3A_4, %dma_start3A_6] : memref<16384x200xi32, #tpu.memory_space<hbm>> -> memref<64x200xi32, #tpu.memory_space<hbm>>
    tpu.enqueue_dma source(%dma_start3A_7 : memref<64x200xi32, #tpu.memory_space<hbm>>) target(%arg6 : memref<64x200xi32, #tpu.memory_space<vmem>>) target_semaphore(%arg14 : memref<!tpu.dma_semaphore, #tpu.memory_space<semaphore_mem>>)
    %dma_start3A_8 = arith.constant 0 : i32
    %dma_start3A_9 = tpu.memref_slice %arg4[%add3A_4, %dma_start3A_8] : memref<16384x200xi32, #tpu.memory_space<hbm>> -> memref<64x200xi32, #tpu.memory_space<hbm>>
    %dma_start3A_10 = arith.constant 0 : i32
    %dma_start3A_11 = tpu.memref_slice %arg4[%add3A_4, %dma_start3A_10] : memref<16384x200xi32, #tpu.memory_space<hbm>> -> memref<64x200xi32, #tpu.memory_space<hbm>>
    tpu.enqueue_dma source(%dma_start3A_11 : memref<64x200xi32, #tpu.memory_space<hbm>>) target(%arg8 : memref<64x200xi32, #tpu.memory_space<vmem>>) target_semaphore(%arg14 : memref<!tpu.dma_semaphore, #tpu.memory_space<semaphore_mem>>)
    %add3A_12 = arith.constant 64 : i32
    %add3A_13 = arith.addi %mul3A_2, %add3A_12 : i32
    %dma_start3A_14 = arith.constant 0 : i32
    %dma_start3A_15 = tpu.memref_slice %arg3[%add3A_13, %dma_start3A_14] : memref<16384x200xi32, #tpu.memory_space<hbm>> -> memref<64x200xi32, #tpu.memory_space<hbm>>
    %dma_start3A_16 = arith.constant 0 : i32
    %dma_start3A_17 = tpu.memref_slice %arg3[%add3A_13, %dma_start3A_16] : memref<16384x200xi32, #tpu.memory_space<hbm>> -> memref<64x200xi32, #tpu.memory_space<hbm>>
    tpu.enqueue_dma source(%dma_start3A_17 : memref<64x200xi32, #tpu.memory_space<hbm>>) target(%arg7 : memref<64x200xi32, #tpu.memory_space<vmem>>) target_semaphore(%arg15 : memref<!tpu.dma_semaphore, #tpu.memory_space<semaphore_mem>>)
    %dma_start3A_18 = arith.constant 0 : i32
    %dma_start3A_19 = tpu.memref_slice %arg4[%add3A_13, %dma_start3A_18] : memref<16384x200xi32, #tpu.memory_space<hbm>> -> memref<64x200xi32, #tpu.memory_space<hbm>>
    %dma_start3A_20 = arith.constant 0 : i32
    %dma_start3A_21 = tpu.memref_slice %arg4[%add3A_13, %dma_start3A_20] : memref<16384x200xi32, #tpu.memory_space<hbm>> -> memref<64x200xi32, #tpu.memory_space<hbm>>
    tpu.enqueue_dma source(%dma_start3A_21 : memref<64x200xi32, #tpu.memory_space<hbm>>) target(%arg9 : memref<64x200xi32, #tpu.memory_space<vmem>>) target_semaphore(%arg15 : memref<!tpu.dma_semaphore, #tpu.memory_space<semaphore_mem>>)
    %scan3A = arith.constant 0 : i32
    %scan3A_22 = arith.constant 0 : i32
    %scan3A_23 = arith.constant 4 : i32
    %scan3A_24 = arith.addi %scan3A_22, %scan3A_23 : i32
    %scan3A_25 = arith.constant 1 : i32
    scf.for %scan3A_42 = %scan3A_22 to %scan3A_24 step %scan3A_25  : i32 {
      %mul3A_43 = arith.constant 2 : i32
      %mul3A_44 = arith.muli %mul3A_43, %scan3A_42 : i32
      %add3A_45 = arith.constant 1 : i32
      %add3A_46 = arith.addi %mul3A_44, %add3A_45 : i32
      %dma_wait3A_47 = arith.constant 0 : i32
      %dma_wait3A_48 = arith.constant 0 : i32
      %dma_wait3A_49 = tpu.memref_slice %arg3[%dma_wait3A_47, %dma_wait3A_48] : memref<16384x200xi32, #tpu.memory_space<hbm>> -> memref<64x200xi32, #tpu.memory_space<hbm>>
      %dma_wait3A_50 = arith.constant 0 : i32
      %dma_wait3A_51 = arith.constant 0 : i32
      %dma_wait3A_52 = tpu.memref_slice %arg3[%dma_wait3A_50, %dma_wait3A_51] : memref<16384x200xi32, #tpu.memory_space<hbm>> -> memref<64x200xi32, #tpu.memory_space<hbm>>
      tpu.wait_dma2 semaphore(%arg14 : memref<!tpu.dma_semaphore, #tpu.memory_space<semaphore_mem>>) src(%dma_wait3A_52 : memref<64x200xi32, #tpu.memory_space<hbm>>) dst(%arg6 : memref<64x200xi32, #tpu.memory_space<vmem>>)
      %dma_wait3A_53 = arith.constant 0 : i32
      %dma_wait3A_54 = arith.constant 0 : i32
      %dma_wait3A_55 = tpu.memref_slice %arg4[%dma_wait3A_53, %dma_wait3A_54] : memref<16384x200xi32, #tpu.memory_space<hbm>> -> memref<64x200xi32, #tpu.memory_space<hbm>>
      %dma_wait3A_56 = arith.constant 0 : i32
      %dma_wait3A_57 = arith.constant 0 : i32
      %dma_wait3A_58 = tpu.memref_slice %arg4[%dma_wait3A_56, %dma_wait3A_57] : memref<16384x200xi32, #tpu.memory_space<hbm>> -> memref<64x200xi32, #tpu.memory_space<hbm>>
      tpu.wait_dma2 semaphore(%arg14 : memref<!tpu.dma_semaphore, #tpu.memory_space<semaphore_mem>>) src(%dma_wait3A_58 : memref<64x200xi32, #tpu.memory_space<hbm>>) dst(%arg8 : memref<64x200xi32, #tpu.memory_space<vmem>>)
      %parallel_loop3A = arith.constant 0 : i32
      %parallel_loop3A_59 = arith.constant 64 : i32
      %parallel_loop3A_60 = arith.constant 1 : i32
      scf.for %parallel_loop3A_109 = %parallel_loop3A to %parallel_loop3A_59 step %parallel_loop3A_60  : i32 {
        %parallel_loop3A_110 = arith.index_cast %parallel_loop3A_109 : i32 to index
        %parallel_loop3A_111 = arith.constant 0 : index
        %parallel_loop3A_112 = tpu.vector_load %arg6[%parallel_loop3A_110, %parallel_loop3A_111] {strides = array<i32>} : memref<64x200xi32, #tpu.memory_space<vmem>>, vector<1x16xi32>,
        %parallel_loop3A_113 = vector.shape_cast %parallel_loop3A_112 : vector<1x16xi32> to vector<16xi32>
        %parallel_loop3A_114 = arith.index_cast %parallel_loop3A_109 : i32 to index
        %parallel_loop3A_115 = arith.constant 0 : index
        %parallel_loop3A_116 = tpu.vector_load %arg8[%parallel_loop3A_114, %parallel_loop3A_115] {strides = array<i32>} : memref<64x200xi32, #tpu.memory_space<vmem>>, vector<1x16xi32>,
        %parallel_loop3A_117 = vector.shape_cast %parallel_loop3A_116 : vector<1x16xi32> to vector<16xi32>
        %parallel_loop3A_118 = arith.constant 10000 : i32
        %parallel_loop3A_119 = vector.broadcast %parallel_loop3A_118 : i32 to vector<16xi32>
        %parallel_loop3A_120 = arith.muli %parallel_loop3A_113, %parallel_loop3A_119 : vector<16xi32>
        %parallel_loop3A_121 = arith.addi %parallel_loop3A_120, %parallel_loop3A_117 : vector<16xi32>
        %parallel_loop3A_122 = arith.constant 200 : i32
        %parallel_loop3A_123 = arith.muli %parallel_loop3A_109, %parallel_loop3A_122 : i32
        %parallel_loop3A_124 = arith.constant 0 : i32
        %parallel_loop3A_125 = arith.addi %parallel_loop3A_123, %parallel_loop3A_124 : i32
        %parallel_loop3A_126 = arith.index_cast %parallel_loop3A_125 : i32 to index
        %parallel_loop3A_127 = tpu.vector_load %arg10[%parallel_loop3A_126] {strides = array<i32>} : memref<12800xi32, #tpu.memory_space<vmem>>, vector<16xi32>,
        %parallel_loop3A_128 = vector.shape_cast %parallel_loop3A_127 : vector<16xi32> to vector<16xi32>
        %parallel_loop3A_129 = vector.shape_cast %parallel_loop3A_121 : vector<16xi32> to vector<16xi32>
        tpu.vector_store %arg10[%parallel_loop3A_126], %parallel_loop3A_129 {strides = array<i32>} : memref<12800xi32, #tpu.memory_space<vmem>>, vector<16xi32>,
        %parallel_loop3A_130 = arith.index_cast %parallel_loop3A_109 : i32 to index
        %parallel_loop3A_131 = arith.constant 16 : index
        %parallel_loop3A_132 = tpu.vector_load %arg6[%parallel_loop3A_130, %parallel_loop3A_131] {strides = array<i32>} : memref<64x200xi32, #tpu.memory_space<vmem>>, vector<1x16xi32>,
        %parallel_loop3A_133 = vector.shape_cast %parallel_loop3A_132 : vector<1x16xi32> to vector<16xi32>
        %parallel_loop3A_134 = arith.index_cast %parallel_loop3A_109 : i32 to index
        %parallel_loop3A_135 = arith.constant 16 : index
        %parallel_loop3A_136 = tpu.vector_load %arg8[%parallel_loop3A_134, %parallel_loop3A_135] {strides = array<i32>} : memref<64x200xi32, #tpu.memory_space<vmem>>, vector<1x16xi32>,
        %parallel_loop3A_137 = vector.shape_cast %parallel_loop3A_136 : vector<1x16xi32> to vector<16xi32>
        %parallel_loop3A_138 = arith.constant 10000 : i32
        %parallel_loop3A_139 = vector.broadcast %parallel_loop3A_138 : i32 to vector<16xi32>
        %parallel_loop3A_140 = arith.muli %parallel_loop3A_133, %parallel_loop3A_139 : vector<16xi32>
        %parallel_loop3A_141 = arith.addi %parallel_loop3A_140, %parallel_loop3A_137 : vector<16xi32>
        %parallel_loop3A_142 = arith.constant 200 : i32
        %parallel_loop3A_143 = arith.muli %parallel_loop3A_109, %parallel_loop3A_142 : i32
        %parallel_loop3A_144 = arith.constant 16 : i32
        %parallel_loop3A_145 = arith.addi %parallel_loop3A_143, %parallel_loop3A_144 : i32
        %parallel_loop3A_146 = arith.index_cast %parallel_loop3A_145 : i32 to index
        %parallel_loop3A_147 = tpu.vector_load %arg10[%parallel_loop3A_146] {strides = array<i32>} : memref<12800xi32, #tpu.memory_space<vmem>>, vector<16xi32>,
        %parallel_loop3A_148 = vector.shape_cast %parallel_loop3A_147 : vector<16xi32> to vector<16xi32>
        %parallel_loop3A_149 = vector.shape_cast %parallel_loop3A_141 : vector<16xi32> to vector<16xi32>
        tpu.vector_store %arg10[%parallel_loop3A_146], %parallel_loop3A_149 {strides = array<i32>} : memref<12800xi32, #tpu.memory_space<vmem>>, vector<16xi32>,
        %parallel_loop3A_150 = arith.index_cast %parallel_loop3A_109 : i32 to index
        %parallel_loop3A_151 = arith.constant 32 : index
        %parallel_loop3A_152 = tpu.vector_load %arg6[%parallel_loop3A_150, %parallel_loop3A_151] {strides = array<i32>} : memref<64x200xi32, #tpu.memory_space<vmem>>, vector<1x16xi32>,
        %parallel_loop3A_153 = vector.shape_cast %parallel_loop3A_152 : vector<1x16xi32> to vector<16xi32>
        %parallel_loop3A_154 = arith.index_cast %parallel_loop3A_109 : i32 to index
        %parallel_loop3A_155 = arith.constant 32 : index
        %parallel_loop3A_156 = tpu.vector_load %arg8[%parallel_loop3A_154, %parallel_loop3A_155] {strides = array<i32>} : memref<64x200xi32, #tpu.memory_space<vmem>>, vector<1x16xi32>,
        %parallel_loop3A_157 = vector.shape_cast %parallel_loop3A_156 : vector<1x16xi32> to vector<16xi32>
        %parallel_loop3A_158 = arith.constant 10000 : i32
        %parallel_loop3A_159 = vector.broadcast %parallel_loop3A_158 : i32 to vector<16xi32>
        %parallel_loop3A_160 = arith.muli %parallel_loop3A_153, %parallel_loop3A_159 : vector<16xi32>
        %parallel_loop3A_161 = arith.addi %parallel_loop3A_160, %parallel_loop3A_157 : vector<16xi32>
        %parallel_loop3A_162 = arith.constant 200 : i32
        %parallel_loop3A_163 = arith.muli %parallel_loop3A_109, %parallel_loop3A_162 : i32
        %parallel_loop3A_164 = arith.constant 32 : i32
        %parallel_loop3A_165 = arith.addi %parallel_loop3A_163, %parallel_loop3A_164 : i32
        %parallel_loop3A_166 = arith.index_cast %parallel_loop3A_165 : i32 to index
        %parallel_loop3A_167 = tpu.vector_load %arg10[%parallel_loop3A_166] {strides = array<i32>} : memref<12800xi32, #tpu.memory_space<vmem>>, vector<16xi32>,
        %parallel_loop3A_168 = vector.shape_cast %parallel_loop3A_167 : vector<16xi32> to vector<16xi32>
        %parallel_loop3A_169 = vector.shape_cast %parallel_loop3A_161 : vector<16xi32> to vector<16xi32>
        tpu.vector_store %arg10[%parallel_loop3A_166], %parallel_loop3A_169 {strides = array<i32>} : memref<12800xi32, #tpu.memory_space<vmem>>, vector<16xi32>,
        %parallel_loop3A_170 = arith.index_cast %parallel_loop3A_109 : i32 to index
        %parallel_loop3A_171 = arith.constant 48 : index
        %parallel_loop3A_172 = tpu.vector_load %arg6[%parallel_loop3A_170, %parallel_loop3A_171] {strides = array<i32>} : memref<64x200xi32, #tpu.memory_space<vmem>>, vector<1x16xi32>,
        %parallel_loop3A_173 = vector.shape_cast %parallel_loop3A_172 : vector<1x16xi32> to vector<16xi32>
        %parallel_loop3A_174 = arith.index_cast %parallel_loop3A_109 : i32 to index
        %parallel_loop3A_175 = arith.constant 48 : index
        %parallel_loop3A_176 = tpu.vector_load %arg8[%parallel_loop3A_174, %parallel_loop3A_175] {strides = array<i32>} : memref<64x200xi32, #tpu.memory_space<vmem>>, vector<1x16xi32>,
        %parallel_loop3A_177 = vector.shape_cast %parallel_loop3A_176 : vector<1x16xi32> to vector<16xi32>
        %parallel_loop3A_178 = arith.constant 10000 : i32
        %parallel_loop3A_179 = vector.broadcast %parallel_loop3A_178 : i32 to vector<16xi32>
        %parallel_loop3A_180 = arith.muli %parallel_loop3A_173, %parallel_loop3A_179 : vector<16xi32>
        %parallel_loop3A_181 = arith.addi %parallel_loop3A_180, %parallel_loop3A_177 : vector<16xi32>
        %parallel_loop3A_182 = arith.constant 200 : i32
        %parallel_loop3A_183 = arith.muli %parallel_loop3A_109, %parallel_loop3A_182 : i32
        %parallel_loop3A_184 = arith.constant 48 : i32
        %parallel_loop3A_185 = arith.addi %parallel_loop3A_183, %parallel_loop3A_184 : i32
        %parallel_loop3A_186 = arith.index_cast %parallel_loop3A_185 : i32 to index
        %parallel_loop3A_187 = tpu.vector_load %arg10[%parallel_loop3A_186] {strides = array<i32>} : memref<12800xi32, #tpu.memory_space<vmem>>, vector<16xi32>,
        %parallel_loop3A_188 = vector.shape_cast %parallel_loop3A_187 : vector<16xi32> to vector<16xi32>
        %parallel_loop3A_189 = vector.shape_cast %parallel_loop3A_181 : vector<16xi32> to vector<16xi32>
        tpu.vector_store %arg10[%parallel_loop3A_186], %parallel_loop3A_189 {strides = array<i32>} : memref<12800xi32, #tpu.memory_space<vmem>>, vector<16xi32>,
        %parallel_loop3A_190 = arith.index_cast %parallel_loop3A_109 : i32 to index
        %parallel_loop3A_191 = arith.constant 64 : index
        %parallel_loop3A_192 = tpu.vector_load %arg6[%parallel_loop3A_190, %parallel_loop3A_191] {strides = array<i32>} : memref<64x200xi32, #tpu.memory_space<vmem>>, vector<1x16xi32>,
        %parallel_loop3A_193 = vector.shape_cast %parallel_loop3A_192 : vector<1x16xi32> to vector<16xi32>
        %parallel_loop3A_194 = arith.index_cast %parallel_loop3A_109 : i32 to index
        %parallel_loop3A_195 = arith.constant 64 : index
        %parallel_loop3A_196 = tpu.vector_load %arg8[%parallel_loop3A_194, %parallel_loop3A_195] {strides = array<i32>} : memref<64x200xi32, #tpu.memory_space<vmem>>, vector<1x16xi32>,
        %parallel_loop3A_197 = vector.shape_cast %parallel_loop3A_196 : vector<1x16xi32> to vector<16xi32>
        %parallel_loop3A_198 = arith.constant 10000 : i32
        %parallel_loop3A_199 = vector.broadcast %parallel_loop3A_198 : i32 to vector<16xi32>
        %parallel_loop3A_200 = arith.muli %parallel_loop3A_193, %parallel_loop3A_199 : vector<16xi32>
        %parallel_loop3A_201 = arith.addi %parallel_loop3A_200, %parallel_loop3A_197 : vector<16xi32>
        %parallel_loop3A_202 = arith.constant 200 : i32
        %parallel_loop3A_203 = arith.muli %parallel_loop3A_109, %parallel_loop3A_202 : i32
        %parallel_loop3A_204 = arith.constant 64 : i32
        %parallel_loop3A_205 = arith.addi %parallel_loop3A_203, %parallel_loop3A_204 : i32
        %parallel_loop3A_206 = arith.index_cast %parallel_loop3A_205 : i32 to index
        %parallel_loop3A_207 = tpu.vector_load %arg10[%parallel_loop3A_206] {strides = array<i32>} : memref<12800xi32, #tpu.memory_space<vmem>>, vector<16xi32>,
        %parallel_loop3A_208 = vector.shape_cast %parallel_loop3A_207 : vector<16xi32> to vector<16xi32>
        %parallel_loop3A_209 = vector.shape_cast %parallel_loop3A_201 : vector<16xi32> to vector<16xi32>
        tpu.vector_store %arg10[%parallel_loop3A_206], %parallel_loop3A_209 {strides = array<i32>} : memref<12800xi32, #tpu.memory_space<vmem>>, vector<16xi32>,
        %parallel_loop3A_210 = arith.index_cast %parallel_loop3A_109 : i32 to index
        %parallel_loop3A_211 = arith.constant 80 : index
        %parallel_loop3A_212 = tpu.vector_load %arg6[%parallel_loop3A_210, %parallel_loop3A_211] {strides = array<i32>} : memref<64x200xi32, #tpu.memory_space<vmem>>, vector<1x16xi32>,
        %parallel_loop3A_213 = vector.shape_cast %parallel_loop3A_212 : vector<1x16xi32> to vector<16xi32>
        %parallel_loop3A_214 = arith.index_cast %parallel_loop3A_109 : i32 to index
        %parallel_loop3A_215 = arith.constant 80 : index
        %parallel_loop3A_216 = tpu.vector_load %arg8[%parallel_loop3A_214, %parallel_loop3A_215] {strides = array<i32>} : memref<64x200xi32, #tpu.memory_space<vmem>>, vector<1x16xi32>,
        %parallel_loop3A_217 = vector.shape_cast %parallel_loop3A_216 : vector<1x16xi32> to vector<16xi32>
        %parallel_loop3A_218 = arith.constant 10000 : i32
        %parallel_loop3A_219 = vector.broadcast %parallel_loop3A_218 : i32 to vector<16xi32>
        %parallel_loop3A_220 = arith.muli %parallel_loop3A_213, %parallel_loop3A_219 : vector<16xi32>
        %parallel_loop3A_221 = arith.addi %parallel_loop3A_220, %parallel_loop3A_217 : vector<16xi32>
        %parallel_loop3A_222 = arith.constant 200 : i32
        %parallel_loop3A_223 = arith.muli %parallel_loop3A_109, %parallel_loop3A_222 : i32
        %parallel_loop3A_224 = arith.constant 80 : i32
        %parallel_loop3A_225 = arith.addi %parallel_loop3A_223, %parallel_loop3A_224 : i32
        %parallel_loop3A_226 = arith.index_cast %parallel_loop3A_225 : i32 to index
        %parallel_loop3A_227 = tpu.vector_load %arg10[%parallel_loop3A_226] {strides = array<i32>} : memref<12800xi32, #tpu.memory_space<vmem>>, vector<16xi32>,
        %parallel_loop3A_228 = vector.shape_cast %parallel_loop3A_227 : vector<16xi32> to vector<16xi32>
        %parallel_loop3A_229 = vector.shape_cast %parallel_loop3A_221 : vector<16xi32> to vector<16xi32>
        tpu.vector_store %arg10[%parallel_loop3A_226], %parallel_loop3A_229 {strides = array<i32>} : memref<12800xi32, #tpu.memory_space<vmem>>, vector<16xi32>,
        %parallel_loop3A_230 = arith.index_cast %parallel_loop3A_109 : i32 to index
        %parallel_loop3A_231 = arith.constant 96 : index
        %parallel_loop3A_232 = tpu.vector_load %arg6[%parallel_loop3A_230, %parallel_loop3A_231] {strides = array<i32>} : memref<64x200xi32, #tpu.memory_space<vmem>>, vector<1x16xi32>,
        %parallel_loop3A_233 = vector.shape_cast %parallel_loop3A_232 : vector<1x16xi32> to vector<16xi32>
        %parallel_loop3A_234 = arith.index_cast %parallel_loop3A_109 : i32 to index
        %parallel_loop3A_235 = arith.constant 96 : index
        %parallel_loop3A_236 = tpu.vector_load %arg8[%parallel_loop3A_234, %parallel_loop3A_235] {strides = array<i32>} : memref<64x200xi32, #tpu.memory_space<vmem>>, vector<1x16xi32>,
        %parallel_loop3A_237 = vector.shape_cast %parallel_loop3A_236 : vector<1x16xi32> to vector<16xi32>
        %parallel_loop3A_238 = arith.constant 10000 : i32
        %parallel_loop3A_239 = vector.broadcast %parallel_loop3A_238 : i32 to vector<16xi32>
        %parallel_loop3A_240 = arith.muli %parallel_loop3A_233, %parallel_loop3A_239 : vector<16xi32>
        %parallel_loop3A_241 = arith.addi %parallel_loop3A_240, %parallel_loop3A_237 : vector<16xi32>
        %parallel_loop3A_242 = arith.constant 200 : i32
        %parallel_loop3A_243 = arith.muli %parallel_loop3A_109, %parallel_loop3A_242 : i32
        %parallel_loop3A_244 = arith.constant 96 : i32
        %parallel_loop3A_245 = arith.addi %parallel_loop3A_243, %parallel_loop3A_244 : i32
        %parallel_loop3A_246 = arith.index_cast %parallel_loop3A_245 : i32 to index
        %parallel_loop3A_247 = tpu.vector_load %arg10[%parallel_loop3A_246] {strides = array<i32>} : memref<12800xi32, #tpu.memory_space<vmem>>, vector<16xi32>,
        %parallel_loop3A_248 = vector.shape_cast %parallel_loop3A_247 : vector<16xi32> to vector<16xi32>
        %parallel_loop3A_249 = vector.shape_cast %parallel_loop3A_241 : vector<16xi32> to vector<16xi32>
        tpu.vector_store %arg10[%parallel_loop3A_246], %parallel_loop3A_249 {strides = array<i32>} : memref<12800xi32, #tpu.memory_space<vmem>>, vector<16xi32>,
        %parallel_loop3A_250 = arith.index_cast %parallel_loop3A_109 : i32 to index
        %parallel_loop3A_251 = arith.constant 112 : index
        %parallel_loop3A_252 = tpu.vector_load %arg6[%parallel_loop3A_250, %parallel_loop3A_251] {strides = array<i32>} : memref<64x200xi32, #tpu.memory_space<vmem>>, vector<1x16xi32>,
        %parallel_loop3A_253 = vector.shape_cast %parallel_loop3A_252 : vector<1x16xi32> to vector<16xi32>
        %parallel_loop3A_254 = arith.index_cast %parallel_loop3A_109 : i32 to index
        %parallel_loop3A_255 = arith.constant 112 : index
        %parallel_loop3A_256 = tpu.vector_load %arg8[%parallel_loop3A_254, %parallel_loop3A_255] {strides = array<i32>} : memref<64x200xi32, #tpu.memory_space<vmem>>, vector<1x16xi32>,
        %parallel_loop3A_257 = vector.shape_cast %parallel_loop3A_256 : vector<1x16xi32> to vector<16xi32>
        %parallel_loop3A_258 = arith.constant 10000 : i32
        %parallel_loop3A_259 = vector.broadcast %parallel_loop3A_258 : i32 to vector<16xi32>
        %parallel_loop3A_260 = arith.muli %parallel_loop3A_253, %parallel_loop3A_259 : vector<16xi32>
        %parallel_loop3A_261 = arith.addi %parallel_loop3A_260, %parallel_loop3A_257 : vector<16xi32>
        %parallel_loop3A_262 = arith.constant 200 : i32
        %parallel_loop3A_263 = arith.muli %parallel_loop3A_109, %parallel_loop3A_262 : i32
        %parallel_loop3A_264 = arith.constant 112 : i32
        %parallel_loop3A_265 = arith.addi %parallel_loop3A_263, %parallel_loop3A_264 : i32
        %parallel_loop3A_266 = arith.index_cast %parallel_loop3A_265 : i32 to index
        %parallel_loop3A_267 = tpu.vector_load %arg10[%parallel_loop3A_266] {strides = array<i32>} : memref<12800xi32, #tpu.memory_space<vmem>>, vector<16xi32>,
        %parallel_loop3A_268 = vector.shape_cast %parallel_loop3A_267 : vector<16xi32> to vector<16xi32>
        %parallel_loop3A_269 = vector.shape_cast %parallel_loop3A_261 : vector<16xi32> to vector<16xi32>
        tpu.vector_store %arg10[%parallel_loop3A_266], %parallel_loop3A_269 {strides = array<i32>} : memref<12800xi32, #tpu.memory_space<vmem>>, vector<16xi32>,
        %parallel_loop3A_270 = arith.index_cast %parallel_loop3A_109 : i32 to index
        %parallel_loop3A_271 = arith.constant 128 : index
        %parallel_loop3A_272 = tpu.vector_load %arg6[%parallel_loop3A_270, %parallel_loop3A_271] {strides = array<i32>} : memref<64x200xi32, #tpu.memory_space<vmem>>, vector<1x16xi32>,
        %parallel_loop3A_273 = vector.shape_cast %parallel_loop3A_272 : vector<1x16xi32> to vector<16xi32>
        %parallel_loop3A_274 = arith.index_cast %parallel_loop3A_109 : i32 to index
        %parallel_loop3A_275 = arith.constant 128 : index
        %parallel_loop3A_276 = tpu.vector_load %arg8[%parallel_loop3A_274, %parallel_loop3A_275] {strides = array<i32>} : memref<64x200xi32, #tpu.memory_space<vmem>>, vector<1x16xi32>,
        %parallel_loop3A_277 = vector.shape_cast %parallel_loop3A_276 : vector<1x16xi32> to vector<16xi32>
        %parallel_loop3A_278 = arith.constant 10000 : i32
        %parallel_loop3A_279 = vector.broadcast %parallel_loop3A_278 : i32 to vector<16xi32>
        %parallel_loop3A_280 = arith.muli %parallel_loop3A_273, %parallel_loop3A_279 : vector<16xi32>
        %parallel_loop3A_281 = arith.addi %parallel_loop3A_280, %parallel_loop3A_277 : vector<16xi32>
        %parallel_loop3A_282 = arith.constant 200 : i32
        %parallel_loop3A_283 = arith.muli %parallel_loop3A_109, %parallel_loop3A_282 : i32
        %parallel_loop3A_284 = arith.constant 128 : i32
        %parallel_loop3A_285 = arith.addi %parallel_loop3A_283, %parallel_loop3A_284 : i32
        %parallel_loop3A_286 = arith.index_cast %parallel_loop3A_285 : i32 to index
        %parallel_loop3A_287 = tpu.vector_load %arg10[%parallel_loop3A_286] {strides = array<i32>} : memref<12800xi32, #tpu.memory_space<vmem>>, vector<16xi32>,
        %parallel_loop3A_288 = vector.shape_cast %parallel_loop3A_287 : vector<16xi32> to vector<16xi32>
        %parallel_loop3A_289 = vector.shape_cast %parallel_loop3A_281 : vector<16xi32> to vector<16xi32>
        tpu.vector_store %arg10[%parallel_loop3A_286], %parallel_loop3A_289 {strides = array<i32>} : memref<12800xi32, #tpu.memory_space<vmem>>, vector<16xi32>,
        %parallel_loop3A_290 = arith.index_cast %parallel_loop3A_109 : i32 to index
        %parallel_loop3A_291 = arith.constant 144 : index
        %parallel_loop3A_292 = tpu.vector_load %arg6[%parallel_loop3A_290, %parallel_loop3A_291] {strides = array<i32>} : memref<64x200xi32, #tpu.memory_space<vmem>>, vector<1x16xi32>,
        %parallel_loop3A_293 = vector.shape_cast %parallel_loop3A_292 : vector<1x16xi32> to vector<16xi32>
        %parallel_loop3A_294 = arith.index_cast %parallel_loop3A_109 : i32 to index
        %parallel_loop3A_295 = arith.constant 144 : index
        %parallel_loop3A_296 = tpu.vector_load %arg8[%parallel_loop3A_294, %parallel_loop3A_295] {strides = array<i32>} : memref<64x200xi32, #tpu.memory_space<vmem>>, vector<1x16xi32>,
        %parallel_loop3A_297 = vector.shape_cast %parallel_loop3A_296 : vector<1x16xi32> to vector<16xi32>
        %parallel_loop3A_298 = arith.constant 10000 : i32
        %parallel_loop3A_299 = vector.broadcast %parallel_loop3A_298 : i32 to vector<16xi32>
        %parallel_loop3A_300 = arith.muli %parallel_loop3A_293, %parallel_loop3A_299 : vector<16xi32>
        %parallel_loop3A_301 = arith.addi %parallel_loop3A_300, %parallel_loop3A_297 : vector<16xi32>
        %parallel_loop3A_302 = arith.constant 200 : i32
        %parallel_loop3A_303 = arith.muli %parallel_loop3A_109, %parallel_loop3A_302 : i32
        %parallel_loop3A_304 = arith.constant 144 : i32
        %parallel_loop3A_305 = arith.addi %parallel_loop3A_303, %parallel_loop3A_304 : i32
        %parallel_loop3A_306 = arith.index_cast %parallel_loop3A_305 : i32 to index
        %parallel_loop3A_307 = tpu.vector_load %arg10[%parallel_loop3A_306] {strides = array<i32>} : memref<12800xi32, #tpu.memory_space<vmem>>, vector<16xi32>,
        %parallel_loop3A_308 = vector.shape_cast %parallel_loop3A_307 : vector<16xi32> to vector<16xi32>
        %parallel_loop3A_309 = vector.shape_cast %parallel_loop3A_301 : vector<16xi32> to vector<16xi32>
        tpu.vector_store %arg10[%parallel_loop3A_306], %parallel_loop3A_309 {strides = array<i32>} : memref<12800xi32, #tpu.memory_space<vmem>>, vector<16xi32>,
        %parallel_loop3A_310 = arith.index_cast %parallel_loop3A_109 : i32 to index
        %parallel_loop3A_311 = arith.constant 160 : index
        %parallel_loop3A_312 = tpu.vector_load %arg6[%parallel_loop3A_310, %parallel_loop3A_311] {strides = array<i32>} : memref<64x200xi32, #tpu.memory_space<vmem>>, vector<1x16xi32>,
        %parallel_loop3A_313 = vector.shape_cast %parallel_loop3A_312 : vector<1x16xi32> to vector<16xi32>
        %parallel_loop3A_314 = arith.index_cast %parallel_loop3A_109 : i32 to index
        %parallel_loop3A_315 = arith.constant 160 : index
        %parallel_loop3A_316 = tpu.vector_load %arg8[%parallel_loop3A_314, %parallel_loop3A_315] {strides = array<i32>} : memref<64x200xi32, #tpu.memory_space<vmem>>, vector<1x16xi32>,
        %parallel_loop3A_317 = vector.shape_cast %parallel_loop3A_316 : vector<1x16xi32> to vector<16xi32>
        %parallel_loop3A_318 = arith.constant 10000 : i32
        %parallel_loop3A_319 = vector.broadcast %parallel_loop3A_318 : i32 to vector<16xi32>
        %parallel_loop3A_320 = arith.muli %parallel_loop3A_313, %parallel_loop3A_319 : vector<16xi32>
        %parallel_loop3A_321 = arith.addi %parallel_loop3A_320, %parallel_loop3A_317 : vector<16xi32>
        %parallel_loop3A_322 = arith.constant 200 : i32
        %parallel_loop3A_323 = arith.muli %parallel_loop3A_109, %parallel_loop3A_322 : i32
        %parallel_loop3A_324 = arith.constant 160 : i32
        %parallel_loop3A_325 = arith.addi %parallel_loop3A_323, %parallel_loop3A_324 : i32
        %parallel_loop3A_326 = arith.index_cast %parallel_loop3A_325 : i32 to index
        %parallel_loop3A_327 = tpu.vector_load %arg10[%parallel_loop3A_326] {strides = array<i32>} : memref<12800xi32, #tpu.memory_space<vmem>>, vector<16xi32>,
        %parallel_loop3A_328 = vector.shape_cast %parallel_loop3A_327 : vector<16xi32> to vector<16xi32>
        %parallel_loop3A_329 = vector.shape_cast %parallel_loop3A_321 : vector<16xi32> to vector<16xi32>
        tpu.vector_store %arg10[%parallel_loop3A_326], %parallel_loop3A_329 {strides = array<i32>} : memref<12800xi32, #tpu.memory_space<vmem>>, vector<16xi32>,
        %parallel_loop3A_330 = arith.index_cast %parallel_loop3A_109 : i32 to index
        %parallel_loop3A_331 = arith.constant 176 : index
        %parallel_loop3A_332 = tpu.vector_load %arg6[%parallel_loop3A_330, %parallel_loop3A_331] {strides = array<i32>} : memref<64x200xi32, #tpu.memory_space<vmem>>, vector<1x16xi32>,
        %parallel_loop3A_333 = vector.shape_cast %parallel_loop3A_332 : vector<1x16xi32> to vector<16xi32>
        %parallel_loop3A_334 = arith.index_cast %parallel_loop3A_109 : i32 to index
        %parallel_loop3A_335 = arith.constant 176 : index
        %parallel_loop3A_336 = tpu.vector_load %arg8[%parallel_loop3A_334, %parallel_loop3A_335] {strides = array<i32>} : memref<64x200xi32, #tpu.memory_space<vmem>>, vector<1x16xi32>,
        %parallel_loop3A_337 = vector.shape_cast %parallel_loop3A_336 : vector<1x16xi32> to vector<16xi32>
        %parallel_loop3A_338 = arith.constant 10000 : i32
        %parallel_loop3A_339 = vector.broadcast %parallel_loop3A_338 : i32 to vector<16xi32>
        %parallel_loop3A_340 = arith.muli %parallel_loop3A_333, %parallel_loop3A_339 : vector<16xi32>
        %parallel_loop3A_341 = arith.addi %parallel_loop3A_340, %parallel_loop3A_337 : vector<16xi32>
        %parallel_loop3A_342 = arith.constant 200 : i32
        %parallel_loop3A_343 = arith.muli %parallel_loop3A_109, %parallel_loop3A_342 : i32
        %parallel_loop3A_344 = arith.constant 176 : i32
        %parallel_loop3A_345 = arith.addi %parallel_loop3A_343, %parallel_loop3A_344 : i32
        %parallel_loop3A_346 = arith.index_cast %parallel_loop3A_345 : i32 to index
        %parallel_loop3A_347 = tpu.vector_load %arg10[%parallel_loop3A_346] {strides = array<i32>} : memref<12800xi32, #tpu.memory_space<vmem>>, vector<16xi32>,
        %parallel_loop3A_348 = vector.shape_cast %parallel_loop3A_347 : vector<16xi32> to vector<16xi32>
        %parallel_loop3A_349 = vector.shape_cast %parallel_loop3A_341 : vector<16xi32> to vector<16xi32>
        tpu.vector_store %arg10[%parallel_loop3A_346], %parallel_loop3A_349 {strides = array<i32>} : memref<12800xi32, #tpu.memory_space<vmem>>, vector<16xi32>,
        %parallel_loop3A_350 = arith.index_cast %parallel_loop3A_109 : i32 to index
        %parallel_loop3A_351 = arith.constant 184 : index
        %parallel_loop3A_352 = tpu.vector_load %arg6[%parallel_loop3A_350, %parallel_loop3A_351] {strides = array<i32>} : memref<64x200xi32, #tpu.memory_space<vmem>>, vector<1x16xi32>,
        %parallel_loop3A_353 = vector.shape_cast %parallel_loop3A_352 : vector<1x16xi32> to vector<16xi32>
        %parallel_loop3A_354 = arith.index_cast %parallel_loop3A_109 : i32 to index
        %parallel_loop3A_355 = arith.constant 184 : index
        %parallel_loop3A_356 = tpu.vector_load %arg8[%parallel_loop3A_354, %parallel_loop3A_355] {strides = array<i32>} : memref<64x200xi32, #tpu.memory_space<vmem>>, vector<1x16xi32>,
        %parallel_loop3A_357 = vector.shape_cast %parallel_loop3A_356 : vector<1x16xi32> to vector<16xi32>
        %parallel_loop3A_358 = arith.constant 10000 : i32
        %parallel_loop3A_359 = vector.broadcast %parallel_loop3A_358 : i32 to vector<16xi32>
        %parallel_loop3A_360 = arith.muli %parallel_loop3A_353, %parallel_loop3A_359 : vector<16xi32>
        %parallel_loop3A_361 = arith.addi %parallel_loop3A_360, %parallel_loop3A_357 : vector<16xi32>
        %parallel_loop3A_362 = arith.constant 200 : i32
        %parallel_loop3A_363 = arith.muli %parallel_loop3A_109, %parallel_loop3A_362 : i32
        %parallel_loop3A_364 = arith.constant 184 : i32
        %parallel_loop3A_365 = arith.addi %parallel_loop3A_363, %parallel_loop3A_364 : i32
        %parallel_loop3A_366 = arith.index_cast %parallel_loop3A_365 : i32 to index
        %parallel_loop3A_367 = tpu.vector_load %arg10[%parallel_loop3A_366] {strides = array<i32>} : memref<12800xi32, #tpu.memory_space<vmem>>, vector<16xi32>,
        %parallel_loop3A_368 = vector.shape_cast %parallel_loop3A_367 : vector<16xi32> to vector<16xi32>
        %parallel_loop3A_369 = vector.shape_cast %parallel_loop3A_361 : vector<16xi32> to vector<16xi32>
        tpu.vector_store %arg10[%parallel_loop3A_366], %parallel_loop3A_369 {strides = array<i32>} : memref<12800xi32, #tpu.memory_space<vmem>>, vector<16xi32>,
      } {sc.loop_unroll_factor = 2 : i64, sc.parallel_access}
      %add3A_61 = arith.constant 2 : i32
      %add3A_62 = arith.addi %mul3A_44, %add3A_61 : i32
      %lt3A = arith.constant 8 : i32
      %lt3A_63 = arith.cmpi slt, %add3A_62, %lt3A : i32
      %convert_element_type3A = arith.extui %lt3A_63 : i1 to i32
      %cond3A = arith.constant 0 : i32
      %cond3A_64 = arith.cmpi ne, %convert_element_type3A, %cond3A : i32
      scf.if %cond3A_64 {
        %add3A_109 = arith.constant 2 : i32
        %add3A_110 = arith.addi %mul3A_44, %add3A_109 : i32
        %mul3A_111 = arith.constant 64 : i32
        %mul3A_112 = arith.muli %add3A_110, %mul3A_111 : i32
        %add3A_113 = arith.addi %mul3A_2, %mul3A_112 : i32
        %dma_start3A_114 = arith.constant 0 : i32
        %dma_start3A_115 = tpu.memref_slice %arg3[%add3A_113, %dma_start3A_114] : memref<16384x200xi32, #tpu.memory_space<hbm>> -> memref<64x200xi32, #tpu.memory_space<hbm>>
        %dma_start3A_116 = arith.constant 0 : i32
        %dma_start3A_117 = tpu.memref_slice %arg3[%add3A_113, %dma_start3A_116] : memref<16384x200xi32, #tpu.memory_space<hbm>> -> memref<64x200xi32, #tpu.memory_space<hbm>>
        tpu.enqueue_dma source(%dma_start3A_117 : memref<64x200xi32, #tpu.memory_space<hbm>>) target(%arg6 : memref<64x200xi32, #tpu.memory_space<vmem>>) target_semaphore(%arg14 : memref<!tpu.dma_semaphore, #tpu.memory_space<semaphore_mem>>)
        %dma_start3A_118 = arith.constant 0 : i32
        %dma_start3A_119 = tpu.memref_slice %arg4[%add3A_113, %dma_start3A_118] : memref<16384x200xi32, #tpu.memory_space<hbm>> -> memref<64x200xi32, #tpu.memory_space<hbm>>
        %dma_start3A_120 = arith.constant 0 : i32
        %dma_start3A_121 = tpu.memref_slice %arg4[%add3A_113, %dma_start3A_120] : memref<16384x200xi32, #tpu.memory_space<hbm>> -> memref<64x200xi32, #tpu.memory_space<hbm>>
        tpu.enqueue_dma source(%dma_start3A_121 : memref<64x200xi32, #tpu.memory_space<hbm>>) target(%arg8 : memref<64x200xi32, #tpu.memory_space<vmem>>) target_semaphore(%arg14 : memref<!tpu.dma_semaphore, #tpu.memory_space<semaphore_mem>>)
      } else {
      }
      %gt3A = arith.constant 0 : i32
      %gt3A_65 = arith.cmpi sgt, %scan3A_42, %gt3A : i32
      %convert_element_type3A_66 = arith.extui %gt3A_65 : i1 to i32
      %cond3A_67 = arith.constant 0 : i32
      %cond3A_68 = arith.cmpi ne, %convert_element_type3A_66, %cond3A_67 : i32
      scf.if %cond3A_68 {
        %dma_wait3A_109 = arith.constant 0 : i32
        %dma_wait3A_110 = tpu.memref_slice %arg2[%dma_wait3A_109] : memref<10240000xf32, #tpu.memory_space<hbm>> -> memref<10240000xf32, #tpu.memory_space<hbm>>
        tpu.wait_indirect_dma semaphore(%arg17 : memref<!tpu.dma_semaphore, #tpu.memory_space<semaphore_mem>>) src(%dma_wait3A_110 : memref<10240000xf32, #tpu.memory_space<hbm>>) dst(%arg13 : memref<12800xf32, #tpu.memory_space<vmem>>)
        %sub3A = arith.constant 1 : i32
        %sub3A_111 = arith.subi %mul3A_44, %sub3A : i32
        %mul3A_112 = arith.constant 64 : i32
        %mul3A_113 = arith.muli %sub3A_111, %mul3A_112 : i32
        %add3A_114 = arith.addi %mul3A_2, %mul3A_113 : i32
        %mul3A_115 = arith.constant 200 : i32
        %mul3A_116 = arith.muli %add3A_114, %mul3A_115 : i32
        %dma_start3A_117 = tpu.memref_slice %arg5[%mul3A_116] : memref<3276800xf32, #tpu.memory_space<hbm>> -> memref<12800xf32, #tpu.memory_space<hbm>>
        %dma_start3A_118 = tpu.memref_slice %arg5[%mul3A_116] : memref<3276800xf32, #tpu.memory_space<hbm>> -> memref<12800xf32, #tpu.memory_space<hbm>>
        tpu.enqueue_dma source(%arg13 : memref<12800xf32, #tpu.memory_space<vmem>>) target(%dma_start3A_118 : memref<12800xf32, #tpu.memory_space<hbm>>) target_semaphore(%arg19 : memref<!tpu.dma_semaphore, #tpu.memory_space<semaphore_mem>>)
        %dma_wait3A_119 = arith.constant 0 : i32
        %dma_wait3A_120 = tpu.memref_slice %arg5[%dma_wait3A_119] : memref<3276800xf32, #tpu.memory_space<hbm>> -> memref<12800xf32, #tpu.memory_space<hbm>>
        %dma_wait3A_121 = arith.constant 0 : i32
        %dma_wait3A_122 = tpu.memref_slice %arg5[%dma_wait3A_121] : memref<3276800xf32, #tpu.memory_space<hbm>> -> memref<12800xf32, #tpu.memory_space<hbm>>
        tpu.wait_dma2 semaphore(%arg18 : memref<!tpu.dma_semaphore, #tpu.memory_space<semaphore_mem>>) src(%arg12 : memref<12800xf32, #tpu.memory_space<vmem>>) dst(%dma_wait3A_122 : memref<12800xf32, #tpu.memory_space<hbm>>)
      } else {
      }
      %dma_start3A_69 = arith.constant 0 : i32
      %dma_start3A_70 = tpu.memref_slice %arg2[%dma_start3A_69] : memref<10240000xf32, #tpu.memory_space<hbm>> -> memref<10240000xf32, #tpu.memory_space<hbm>>
      tpu.enqueue_indirect_dma source(%dma_start3A_70 : memref<10240000xf32, #tpu.memory_space<hbm>>) target(%arg12 : memref<12800xf32, #tpu.memory_space<vmem>>) offsets(%arg10 : memref<12800xi32, #tpu.memory_space<vmem>>) semaphore(%arg16 : memref<!tpu.dma_semaphore, #tpu.memory_space<semaphore_mem>>)
      %dma_wait3A_71 = arith.constant 0 : i32
      %dma_wait3A_72 = arith.constant 0 : i32
      %dma_wait3A_73 = tpu.memref_slice %arg3[%dma_wait3A_71, %dma_wait3A_72] : memref<16384x200xi32, #tpu.memory_space<hbm>> -> memref<64x200xi32, #tpu.memory_space<hbm>>
      %dma_wait3A_74 = arith.constant 0 : i32
      %dma_wait3A_75 = arith.constant 0 : i32
      %dma_wait3A_76 = tpu.memref_slice %arg3[%dma_wait3A_74, %dma_wait3A_75] : memref<16384x200xi32, #tpu.memory_space<hbm>> -> memref<64x200xi32, #tpu.memory_space<hbm>>
      tpu.wait_dma2 semaphore(%arg15 : memref<!tpu.dma_semaphore, #tpu.memory_space<semaphore_mem>>) src(%dma_wait3A_76 : memref<64x200xi32, #tpu.memory_space<hbm>>) dst(%arg7 : memref<64x200xi32, #tpu.memory_space<vmem>>)
      %dma_wait3A_77 = arith.constant 0 : i32
      %dma_wait3A_78 = arith.constant 0 : i32
      %dma_wait3A_79 = tpu.memref_slice %arg4[%dma_wait3A_77, %dma_wait3A_78] : memref<16384x200xi32, #tpu.memory_space<hbm>> -> memref<64x200xi32, #tpu.memory_space<hbm>>
      %dma_wait3A_80 = arith.constant 0 : i32
      %dma_wait3A_81 = arith.constant 0 : i32
      %dma_wait3A_82 = tpu.memref_slice %arg4[%dma_wait3A_80, %dma_wait3A_81] : memref<16384x200xi32, #tpu.memory_space<hbm>> -> memref<64x200xi32, #tpu.memory_space<hbm>>
      tpu.wait_dma2 semaphore(%arg15 : memref<!tpu.dma_semaphore, #tpu.memory_space<semaphore_mem>>) src(%dma_wait3A_82 : memref<64x200xi32, #tpu.memory_space<hbm>>) dst(%arg9 : memref<64x200xi32, #tpu.memory_space<vmem>>)
      %parallel_loop3A_83 = arith.constant 0 : i32
      %parallel_loop3A_84 = arith.constant 64 : i32
      %parallel_loop3A_85 = arith.constant 1 : i32
      scf.for %parallel_loop3A_109 = %parallel_loop3A_83 to %parallel_loop3A_84 step %parallel_loop3A_85  : i32 {
        %parallel_loop3A_110 = arith.index_cast %parallel_loop3A_109 : i32 to index
        %parallel_loop3A_111 = arith.constant 0 : index
        %parallel_loop3A_112 = tpu.vector_load %arg7[%parallel_loop3A_110, %parallel_loop3A_111] {strides = array<i32>} : memref<64x200xi32, #tpu.memory_space<vmem>>, vector<1x16xi32>,
        %parallel_loop3A_113 = vector.shape_cast %parallel_loop3A_112 : vector<1x16xi32> to vector<16xi32>
        %parallel_loop3A_114 = arith.index_cast %parallel_loop3A_109 : i32 to index
        %parallel_loop3A_115 = arith.constant 0 : index
        %parallel_loop3A_116 = tpu.vector_load %arg9[%parallel_loop3A_114, %parallel_loop3A_115] {strides = array<i32>} : memref<64x200xi32, #tpu.memory_space<vmem>>, vector<1x16xi32>,
        %parallel_loop3A_117 = vector.shape_cast %parallel_loop3A_116 : vector<1x16xi32> to vector<16xi32>
        %parallel_loop3A_118 = arith.constant 10000 : i32
        %parallel_loop3A_119 = vector.broadcast %parallel_loop3A_118 : i32 to vector<16xi32>
        %parallel_loop3A_120 = arith.muli %parallel_loop3A_113, %parallel_loop3A_119 : vector<16xi32>
        %parallel_loop3A_121 = arith.addi %parallel_loop3A_120, %parallel_loop3A_117 : vector<16xi32>
        %parallel_loop3A_122 = arith.constant 200 : i32
        %parallel_loop3A_123 = arith.muli %parallel_loop3A_109, %parallel_loop3A_122 : i32
        %parallel_loop3A_124 = arith.constant 0 : i32
        %parallel_loop3A_125 = arith.addi %parallel_loop3A_123, %parallel_loop3A_124 : i32
        %parallel_loop3A_126 = arith.index_cast %parallel_loop3A_125 : i32 to index
        %parallel_loop3A_127 = tpu.vector_load %arg11[%parallel_loop3A_126] {strides = array<i32>} : memref<12800xi32, #tpu.memory_space<vmem>>, vector<16xi32>,
        %parallel_loop3A_128 = vector.shape_cast %parallel_loop3A_127 : vector<16xi32> to vector<16xi32>
        %parallel_loop3A_129 = vector.shape_cast %parallel_loop3A_121 : vector<16xi32> to vector<16xi32>
        tpu.vector_store %arg11[%parallel_loop3A_126], %parallel_loop3A_129 {strides = array<i32>} : memref<12800xi32, #tpu.memory_space<vmem>>, vector<16xi32>,
        %parallel_loop3A_130 = arith.index_cast %parallel_loop3A_109 : i32 to index
        %parallel_loop3A_131 = arith.constant 16 : index
        %parallel_loop3A_132 = tpu.vector_load %arg7[%parallel_loop3A_130, %parallel_loop3A_131] {strides = array<i32>} : memref<64x200xi32, #tpu.memory_space<vmem>>, vector<1x16xi32>,
        %parallel_loop3A_133 = vector.shape_cast %parallel_loop3A_132 : vector<1x16xi32> to vector<16xi32>
        %parallel_loop3A_134 = arith.index_cast %parallel_loop3A_109 : i32 to index
        %parallel_loop3A_135 = arith.constant 16 : index
        %parallel_loop3A_136 = tpu.vector_load %arg9[%parallel_loop3A_134, %parallel_loop3A_135] {strides = array<i32>} : memref<64x200xi32, #tpu.memory_space<vmem>>, vector<1x16xi32>,
        %parallel_loop3A_137 = vector.shape_cast %parallel_loop3A_136 : vector<1x16xi32> to vector<16xi32>
        %parallel_loop3A_138 = arith.constant 10000 : i32
        %parallel_loop3A_139 = vector.broadcast %parallel_loop3A_138 : i32 to vector<16xi32>
        %parallel_loop3A_140 = arith.muli %parallel_loop3A_133, %parallel_loop3A_139 : vector<16xi32>
        %parallel_loop3A_141 = arith.addi %parallel_loop3A_140, %parallel_loop3A_137 : vector<16xi32>
        %parallel_loop3A_142 = arith.constant 200 : i32
        %parallel_loop3A_143 = arith.muli %parallel_loop3A_109, %parallel_loop3A_142 : i32
        %parallel_loop3A_144 = arith.constant 16 : i32
        %parallel_loop3A_145 = arith.addi %parallel_loop3A_143, %parallel_loop3A_144 : i32
        %parallel_loop3A_146 = arith.index_cast %parallel_loop3A_145 : i32 to index
        %parallel_loop3A_147 = tpu.vector_load %arg11[%parallel_loop3A_146] {strides = array<i32>} : memref<12800xi32, #tpu.memory_space<vmem>>, vector<16xi32>,
        %parallel_loop3A_148 = vector.shape_cast %parallel_loop3A_147 : vector<16xi32> to vector<16xi32>
        %parallel_loop3A_149 = vector.shape_cast %parallel_loop3A_141 : vector<16xi32> to vector<16xi32>
        tpu.vector_store %arg11[%parallel_loop3A_146], %parallel_loop3A_149 {strides = array<i32>} : memref<12800xi32, #tpu.memory_space<vmem>>, vector<16xi32>,
        %parallel_loop3A_150 = arith.index_cast %parallel_loop3A_109 : i32 to index
        %parallel_loop3A_151 = arith.constant 32 : index
        %parallel_loop3A_152 = tpu.vector_load %arg7[%parallel_loop3A_150, %parallel_loop3A_151] {strides = array<i32>} : memref<64x200xi32, #tpu.memory_space<vmem>>, vector<1x16xi32>,
        %parallel_loop3A_153 = vector.shape_cast %parallel_loop3A_152 : vector<1x16xi32> to vector<16xi32>
        %parallel_loop3A_154 = arith.index_cast %parallel_loop3A_109 : i32 to index
        %parallel_loop3A_155 = arith.constant 32 : index
        %parallel_loop3A_156 = tpu.vector_load %arg9[%parallel_loop3A_154, %parallel_loop3A_155] {strides = array<i32>} : memref<64x200xi32, #tpu.memory_space<vmem>>, vector<1x16xi32>,
        %parallel_loop3A_157 = vector.shape_cast %parallel_loop3A_156 : vector<1x16xi32> to vector<16xi32>
        %parallel_loop3A_158 = arith.constant 10000 : i32
        %parallel_loop3A_159 = vector.broadcast %parallel_loop3A_158 : i32 to vector<16xi32>
        %parallel_loop3A_160 = arith.muli %parallel_loop3A_153, %parallel_loop3A_159 : vector<16xi32>
        %parallel_loop3A_161 = arith.addi %parallel_loop3A_160, %parallel_loop3A_157 : vector<16xi32>
        %parallel_loop3A_162 = arith.constant 200 : i32
        %parallel_loop3A_163 = arith.muli %parallel_loop3A_109, %parallel_loop3A_162 : i32
        %parallel_loop3A_164 = arith.constant 32 : i32
        %parallel_loop3A_165 = arith.addi %parallel_loop3A_163, %parallel_loop3A_164 : i32
        %parallel_loop3A_166 = arith.index_cast %parallel_loop3A_165 : i32 to index
        %parallel_loop3A_167 = tpu.vector_load %arg11[%parallel_loop3A_166] {strides = array<i32>} : memref<12800xi32, #tpu.memory_space<vmem>>, vector<16xi32>,
        %parallel_loop3A_168 = vector.shape_cast %parallel_loop3A_167 : vector<16xi32> to vector<16xi32>
        %parallel_loop3A_169 = vector.shape_cast %parallel_loop3A_161 : vector<16xi32> to vector<16xi32>
        tpu.vector_store %arg11[%parallel_loop3A_166], %parallel_loop3A_169 {strides = array<i32>} : memref<12800xi32, #tpu.memory_space<vmem>>, vector<16xi32>,
        %parallel_loop3A_170 = arith.index_cast %parallel_loop3A_109 : i32 to index
        %parallel_loop3A_171 = arith.constant 48 : index
        %parallel_loop3A_172 = tpu.vector_load %arg7[%parallel_loop3A_170, %parallel_loop3A_171] {strides = array<i32>} : memref<64x200xi32, #tpu.memory_space<vmem>>, vector<1x16xi32>,
        %parallel_loop3A_173 = vector.shape_cast %parallel_loop3A_172 : vector<1x16xi32> to vector<16xi32>
        %parallel_loop3A_174 = arith.index_cast %parallel_loop3A_109 : i32 to index
        %parallel_loop3A_175 = arith.constant 48 : index
        %parallel_loop3A_176 = tpu.vector_load %arg9[%parallel_loop3A_174, %parallel_loop3A_175] {strides = array<i32>} : memref<64x200xi32, #tpu.memory_space<vmem>>, vector<1x16xi32>,
        %parallel_loop3A_177 = vector.shape_cast %parallel_loop3A_176 : vector<1x16xi32> to vector<16xi32>
        %parallel_loop3A_178 = arith.constant 10000 : i32
        %parallel_loop3A_179 = vector.broadcast %parallel_loop3A_178 : i32 to vector<16xi32>
        %parallel_loop3A_180 = arith.muli %parallel_loop3A_173, %parallel_loop3A_179 : vector<16xi32>
        %parallel_loop3A_181 = arith.addi %parallel_loop3A_180, %parallel_loop3A_177 : vector<16xi32>
        %parallel_loop3A_182 = arith.constant 200 : i32
        %parallel_loop3A_183 = arith.muli %parallel_loop3A_109, %parallel_loop3A_182 : i32
        %parallel_loop3A_184 = arith.constant 48 : i32
        %parallel_loop3A_185 = arith.addi %parallel_loop3A_183, %parallel_loop3A_184 : i32
        %parallel_loop3A_186 = arith.index_cast %parallel_loop3A_185 : i32 to index
        %parallel_loop3A_187 = tpu.vector_load %arg11[%parallel_loop3A_186] {strides = array<i32>} : memref<12800xi32, #tpu.memory_space<vmem>>, vector<16xi32>,
        %parallel_loop3A_188 = vector.shape_cast %parallel_loop3A_187 : vector<16xi32> to vector<16xi32>
        %parallel_loop3A_189 = vector.shape_cast %parallel_loop3A_181 : vector<16xi32> to vector<16xi32>
        tpu.vector_store %arg11[%parallel_loop3A_186], %parallel_loop3A_189 {strides = array<i32>} : memref<12800xi32, #tpu.memory_space<vmem>>, vector<16xi32>,
        %parallel_loop3A_190 = arith.index_cast %parallel_loop3A_109 : i32 to index
        %parallel_loop3A_191 = arith.constant 64 : index
        %parallel_loop3A_192 = tpu.vector_load %arg7[%parallel_loop3A_190, %parallel_loop3A_191] {strides = array<i32>} : memref<64x200xi32, #tpu.memory_space<vmem>>, vector<1x16xi32>,
        %parallel_loop3A_193 = vector.shape_cast %parallel_loop3A_192 : vector<1x16xi32> to vector<16xi32>
        %parallel_loop3A_194 = arith.index_cast %parallel_loop3A_109 : i32 to index
        %parallel_loop3A_195 = arith.constant 64 : index
        %parallel_loop3A_196 = tpu.vector_load %arg9[%parallel_loop3A_194, %parallel_loop3A_195] {strides = array<i32>} : memref<64x200xi32, #tpu.memory_space<vmem>>, vector<1x16xi32>,
        %parallel_loop3A_197 = vector.shape_cast %parallel_loop3A_196 : vector<1x16xi32> to vector<16xi32>
        %parallel_loop3A_198 = arith.constant 10000 : i32
        %parallel_loop3A_199 = vector.broadcast %parallel_loop3A_198 : i32 to vector<16xi32>
        %parallel_loop3A_200 = arith.muli %parallel_loop3A_193, %parallel_loop3A_199 : vector<16xi32>
        %parallel_loop3A_201 = arith.addi %parallel_loop3A_200, %parallel_loop3A_197 : vector<16xi32>
        %parallel_loop3A_202 = arith.constant 200 : i32
        %parallel_loop3A_203 = arith.muli %parallel_loop3A_109, %parallel_loop3A_202 : i32
        %parallel_loop3A_204 = arith.constant 64 : i32
        %parallel_loop3A_205 = arith.addi %parallel_loop3A_203, %parallel_loop3A_204 : i32
        %parallel_loop3A_206 = arith.index_cast %parallel_loop3A_205 : i32 to index
        %parallel_loop3A_207 = tpu.vector_load %arg11[%parallel_loop3A_206] {strides = array<i32>} : memref<12800xi32, #tpu.memory_space<vmem>>, vector<16xi32>,
        %parallel_loop3A_208 = vector.shape_cast %parallel_loop3A_207 : vector<16xi32> to vector<16xi32>
        %parallel_loop3A_209 = vector.shape_cast %parallel_loop3A_201 : vector<16xi32> to vector<16xi32>
        tpu.vector_store %arg11[%parallel_loop3A_206], %parallel_loop3A_209 {strides = array<i32>} : memref<12800xi32, #tpu.memory_space<vmem>>, vector<16xi32>,
        %parallel_loop3A_210 = arith.index_cast %parallel_loop3A_109 : i32 to index
        %parallel_loop3A_211 = arith.constant 80 : index
        %parallel_loop3A_212 = tpu.vector_load %arg7[%parallel_loop3A_210, %parallel_loop3A_211] {strides = array<i32>} : memref<64x200xi32, #tpu.memory_space<vmem>>, vector<1x16xi32>,
        %parallel_loop3A_213 = vector.shape_cast %parallel_loop3A_212 : vector<1x16xi32> to vector<16xi32>
        %parallel_loop3A_214 = arith.index_cast %parallel_loop3A_109 : i32 to index
        %parallel_loop3A_215 = arith.constant 80 : index
        %parallel_loop3A_216 = tpu.vector_load %arg9[%parallel_loop3A_214, %parallel_loop3A_215] {strides = array<i32>} : memref<64x200xi32, #tpu.memory_space<vmem>>, vector<1x16xi32>,
        %parallel_loop3A_217 = vector.shape_cast %parallel_loop3A_216 : vector<1x16xi32> to vector<16xi32>
        %parallel_loop3A_218 = arith.constant 10000 : i32
        %parallel_loop3A_219 = vector.broadcast %parallel_loop3A_218 : i32 to vector<16xi32>
        %parallel_loop3A_220 = arith.muli %parallel_loop3A_213, %parallel_loop3A_219 : vector<16xi32>
        %parallel_loop3A_221 = arith.addi %parallel_loop3A_220, %parallel_loop3A_217 : vector<16xi32>
        %parallel_loop3A_222 = arith.constant 200 : i32
        %parallel_loop3A_223 = arith.muli %parallel_loop3A_109, %parallel_loop3A_222 : i32
        %parallel_loop3A_224 = arith.constant 80 : i32
        %parallel_loop3A_225 = arith.addi %parallel_loop3A_223, %parallel_loop3A_224 : i32
        %parallel_loop3A_226 = arith.index_cast %parallel_loop3A_225 : i32 to index
        %parallel_loop3A_227 = tpu.vector_load %arg11[%parallel_loop3A_226] {strides = array<i32>} : memref<12800xi32, #tpu.memory_space<vmem>>, vector<16xi32>,
        %parallel_loop3A_228 = vector.shape_cast %parallel_loop3A_227 : vector<16xi32> to vector<16xi32>
        %parallel_loop3A_229 = vector.shape_cast %parallel_loop3A_221 : vector<16xi32> to vector<16xi32>
        tpu.vector_store %arg11[%parallel_loop3A_226], %parallel_loop3A_229 {strides = array<i32>} : memref<12800xi32, #tpu.memory_space<vmem>>, vector<16xi32>,
        %parallel_loop3A_230 = arith.index_cast %parallel_loop3A_109 : i32 to index
        %parallel_loop3A_231 = arith.constant 96 : index
        %parallel_loop3A_232 = tpu.vector_load %arg7[%parallel_loop3A_230, %parallel_loop3A_231] {strides = array<i32>} : memref<64x200xi32, #tpu.memory_space<vmem>>, vector<1x16xi32>,
        %parallel_loop3A_233 = vector.shape_cast %parallel_loop3A_232 : vector<1x16xi32> to vector<16xi32>
        %parallel_loop3A_234 = arith.index_cast %parallel_loop3A_109 : i32 to index
        %parallel_loop3A_235 = arith.constant 96 : index
        %parallel_loop3A_236 = tpu.vector_load %arg9[%parallel_loop3A_234, %parallel_loop3A_235] {strides = array<i32>} : memref<64x200xi32, #tpu.memory_space<vmem>>, vector<1x16xi32>,
        %parallel_loop3A_237 = vector.shape_cast %parallel_loop3A_236 : vector<1x16xi32> to vector<16xi32>
        %parallel_loop3A_238 = arith.constant 10000 : i32
        %parallel_loop3A_239 = vector.broadcast %parallel_loop3A_238 : i32 to vector<16xi32>
        %parallel_loop3A_240 = arith.muli %parallel_loop3A_233, %parallel_loop3A_239 : vector<16xi32>
        %parallel_loop3A_241 = arith.addi %parallel_loop3A_240, %parallel_loop3A_237 : vector<16xi32>
        %parallel_loop3A_242 = arith.constant 200 : i32
        %parallel_loop3A_243 = arith.muli %parallel_loop3A_109, %parallel_loop3A_242 : i32
        %parallel_loop3A_244 = arith.constant 96 : i32
        %parallel_loop3A_245 = arith.addi %parallel_loop3A_243, %parallel_loop3A_244 : i32
        %parallel_loop3A_246 = arith.index_cast %parallel_loop3A_245 : i32 to index
        %parallel_loop3A_247 = tpu.vector_load %arg11[%parallel_loop3A_246] {strides = array<i32>} : memref<12800xi32, #tpu.memory_space<vmem>>, vector<16xi32>,
        %parallel_loop3A_248 = vector.shape_cast %parallel_loop3A_247 : vector<16xi32> to vector<16xi32>
        %parallel_loop3A_249 = vector.shape_cast %parallel_loop3A_241 : vector<16xi32> to vector<16xi32>
        tpu.vector_store %arg11[%parallel_loop3A_246], %parallel_loop3A_249 {strides = array<i32>} : memref<12800xi32, #tpu.memory_space<vmem>>, vector<16xi32>,
        %parallel_loop3A_250 = arith.index_cast %parallel_loop3A_109 : i32 to index
        %parallel_loop3A_251 = arith.constant 112 : index
        %parallel_loop3A_252 = tpu.vector_load %arg7[%parallel_loop3A_250, %parallel_loop3A_251] {strides = array<i32>} : memref<64x200xi32, #tpu.memory_space<vmem>>, vector<1x16xi32>,
        %parallel_loop3A_253 = vector.shape_cast %parallel_loop3A_252 : vector<1x16xi32> to vector<16xi32>
        %parallel_loop3A_254 = arith.index_cast %parallel_loop3A_109 : i32 to index
        %parallel_loop3A_255 = arith.constant 112 : index
        %parallel_loop3A_256 = tpu.vector_load %arg9[%parallel_loop3A_254, %parallel_loop3A_255] {strides = array<i32>} : memref<64x200xi32, #tpu.memory_space<vmem>>, vector<1x16xi32>,
        %parallel_loop3A_257 = vector.shape_cast %parallel_loop3A_256 : vector<1x16xi32> to vector<16xi32>
        %parallel_loop3A_258 = arith.constant 10000 : i32
        %parallel_loop3A_259 = vector.broadcast %parallel_loop3A_258 : i32 to vector<16xi32>
        %parallel_loop3A_260 = arith.muli %parallel_loop3A_253, %parallel_loop3A_259 : vector<16xi32>
        %parallel_loop3A_261 = arith.addi %parallel_loop3A_260, %parallel_loop3A_257 : vector<16xi32>
        %parallel_loop3A_262 = arith.constant 200 : i32
        %parallel_loop3A_263 = arith.muli %parallel_loop3A_109, %parallel_loop3A_262 : i32
        %parallel_loop3A_264 = arith.constant 112 : i32
        %parallel_loop3A_265 = arith.addi %parallel_loop3A_263, %parallel_loop3A_264 : i32
        %parallel_loop3A_266 = arith.index_cast %parallel_loop3A_265 : i32 to index
        %parallel_loop3A_267 = tpu.vector_load %arg11[%parallel_loop3A_266] {strides = array<i32>} : memref<12800xi32, #tpu.memory_space<vmem>>, vector<16xi32>,
        %parallel_loop3A_268 = vector.shape_cast %parallel_loop3A_267 : vector<16xi32> to vector<16xi32>
        %parallel_loop3A_269 = vector.shape_cast %parallel_loop3A_261 : vector<16xi32> to vector<16xi32>
        tpu.vector_store %arg11[%parallel_loop3A_266], %parallel_loop3A_269 {strides = array<i32>} : memref<12800xi32, #tpu.memory_space<vmem>>, vector<16xi32>,
        %parallel_loop3A_270 = arith.index_cast %parallel_loop3A_109 : i32 to index
        %parallel_loop3A_271 = arith.constant 128 : index
        %parallel_loop3A_272 = tpu.vector_load %arg7[%parallel_loop3A_270, %parallel_loop3A_271] {strides = array<i32>} : memref<64x200xi32, #tpu.memory_space<vmem>>, vector<1x16xi32>,
        %parallel_loop3A_273 = vector.shape_cast %parallel_loop3A_272 : vector<1x16xi32> to vector<16xi32>
        %parallel_loop3A_274 = arith.index_cast %parallel_loop3A_109 : i32 to index
        %parallel_loop3A_275 = arith.constant 128 : index
        %parallel_loop3A_276 = tpu.vector_load %arg9[%parallel_loop3A_274, %parallel_loop3A_275] {strides = array<i32>} : memref<64x200xi32, #tpu.memory_space<vmem>>, vector<1x16xi32>,
        %parallel_loop3A_277 = vector.shape_cast %parallel_loop3A_276 : vector<1x16xi32> to vector<16xi32>
        %parallel_loop3A_278 = arith.constant 10000 : i32
        %parallel_loop3A_279 = vector.broadcast %parallel_loop3A_278 : i32 to vector<16xi32>
        %parallel_loop3A_280 = arith.muli %parallel_loop3A_273, %parallel_loop3A_279 : vector<16xi32>
        %parallel_loop3A_281 = arith.addi %parallel_loop3A_280, %parallel_loop3A_277 : vector<16xi32>
        %parallel_loop3A_282 = arith.constant 200 : i32
        %parallel_loop3A_283 = arith.muli %parallel_loop3A_109, %parallel_loop3A_282 : i32
        %parallel_loop3A_284 = arith.constant 128 : i32
        %parallel_loop3A_285 = arith.addi %parallel_loop3A_283, %parallel_loop3A_284 : i32
        %parallel_loop3A_286 = arith.index_cast %parallel_loop3A_285 : i32 to index
        %parallel_loop3A_287 = tpu.vector_load %arg11[%parallel_loop3A_286] {strides = array<i32>} : memref<12800xi32, #tpu.memory_space<vmem>>, vector<16xi32>,
        %parallel_loop3A_288 = vector.shape_cast %parallel_loop3A_287 : vector<16xi32> to vector<16xi32>
        %parallel_loop3A_289 = vector.shape_cast %parallel_loop3A_281 : vector<16xi32> to vector<16xi32>
        tpu.vector_store %arg11[%parallel_loop3A_286], %parallel_loop3A_289 {strides = array<i32>} : memref<12800xi32, #tpu.memory_space<vmem>>, vector<16xi32>,
        %parallel_loop3A_290 = arith.index_cast %parallel_loop3A_109 : i32 to index
        %parallel_loop3A_291 = arith.constant 144 : index
        %parallel_loop3A_292 = tpu.vector_load %arg7[%parallel_loop3A_290, %parallel_loop3A_291] {strides = array<i32>} : memref<64x200xi32, #tpu.memory_space<vmem>>, vector<1x16xi32>,
        %parallel_loop3A_293 = vector.shape_cast %parallel_loop3A_292 : vector<1x16xi32> to vector<16xi32>
        %parallel_loop3A_294 = arith.index_cast %parallel_loop3A_109 : i32 to index
        %parallel_loop3A_295 = arith.constant 144 : index
        %parallel_loop3A_296 = tpu.vector_load %arg9[%parallel_loop3A_294, %parallel_loop3A_295] {strides = array<i32>} : memref<64x200xi32, #tpu.memory_space<vmem>>, vector<1x16xi32>,
        %parallel_loop3A_297 = vector.shape_cast %parallel_loop3A_296 : vector<1x16xi32> to vector<16xi32>
        %parallel_loop3A_298 = arith.constant 10000 : i32
        %parallel_loop3A_299 = vector.broadcast %parallel_loop3A_298 : i32 to vector<16xi32>
        %parallel_loop3A_300 = arith.muli %parallel_loop3A_293, %parallel_loop3A_299 : vector<16xi32>
        %parallel_loop3A_301 = arith.addi %parallel_loop3A_300, %parallel_loop3A_297 : vector<16xi32>
        %parallel_loop3A_302 = arith.constant 200 : i32
        %parallel_loop3A_303 = arith.muli %parallel_loop3A_109, %parallel_loop3A_302 : i32
        %parallel_loop3A_304 = arith.constant 144 : i32
        %parallel_loop3A_305 = arith.addi %parallel_loop3A_303, %parallel_loop3A_304 : i32
        %parallel_loop3A_306 = arith.index_cast %parallel_loop3A_305 : i32 to index
        %parallel_loop3A_307 = tpu.vector_load %arg11[%parallel_loop3A_306] {strides = array<i32>} : memref<12800xi32, #tpu.memory_space<vmem>>, vector<16xi32>,
        %parallel_loop3A_308 = vector.shape_cast %parallel_loop3A_307 : vector<16xi32> to vector<16xi32>
        %parallel_loop3A_309 = vector.shape_cast %parallel_loop3A_301 : vector<16xi32> to vector<16xi32>
        tpu.vector_store %arg11[%parallel_loop3A_306], %parallel_loop3A_309 {strides = array<i32>} : memref<12800xi32, #tpu.memory_space<vmem>>, vector<16xi32>,
        %parallel_loop3A_310 = arith.index_cast %parallel_loop3A_109 : i32 to index
        %parallel_loop3A_311 = arith.constant 160 : index
        %parallel_loop3A_312 = tpu.vector_load %arg7[%parallel_loop3A_310, %parallel_loop3A_311] {strides = array<i32>} : memref<64x200xi32, #tpu.memory_space<vmem>>, vector<1x16xi32>,
        %parallel_loop3A_313 = vector.shape_cast %parallel_loop3A_312 : vector<1x16xi32> to vector<16xi32>
        %parallel_loop3A_314 = arith.index_cast %parallel_loop3A_109 : i32 to index
        %parallel_loop3A_315 = arith.constant 160 : index
        %parallel_loop3A_316 = tpu.vector_load %arg9[%parallel_loop3A_314, %parallel_loop3A_315] {strides = array<i32>} : memref<64x200xi32, #tpu.memory_space<vmem>>, vector<1x16xi32>,
        %parallel_loop3A_317 = vector.shape_cast %parallel_loop3A_316 : vector<1x16xi32> to vector<16xi32>
        %parallel_loop3A_318 = arith.constant 10000 : i32
        %parallel_loop3A_319 = vector.broadcast %parallel_loop3A_318 : i32 to vector<16xi32>
        %parallel_loop3A_320 = arith.muli %parallel_loop3A_313, %parallel_loop3A_319 : vector<16xi32>
        %parallel_loop3A_321 = arith.addi %parallel_loop3A_320, %parallel_loop3A_317 : vector<16xi32>
        %parallel_loop3A_322 = arith.constant 200 : i32
        %parallel_loop3A_323 = arith.muli %parallel_loop3A_109, %parallel_loop3A_322 : i32
        %parallel_loop3A_324 = arith.constant 160 : i32
        %parallel_loop3A_325 = arith.addi %parallel_loop3A_323, %parallel_loop3A_324 : i32
        %parallel_loop3A_326 = arith.index_cast %parallel_loop3A_325 : i32 to index
        %parallel_loop3A_327 = tpu.vector_load %arg11[%parallel_loop3A_326] {strides = array<i32>} : memref<12800xi32, #tpu.memory_space<vmem>>, vector<16xi32>,
        %parallel_loop3A_328 = vector.shape_cast %parallel_loop3A_327 : vector<16xi32> to vector<16xi32>
        %parallel_loop3A_329 = vector.shape_cast %parallel_loop3A_321 : vector<16xi32> to vector<16xi32>
        tpu.vector_store %arg11[%parallel_loop3A_326], %parallel_loop3A_329 {strides = array<i32>} : memref<12800xi32, #tpu.memory_space<vmem>>, vector<16xi32>,
        %parallel_loop3A_330 = arith.index_cast %parallel_loop3A_109 : i32 to index
        %parallel_loop3A_331 = arith.constant 176 : index
        %parallel_loop3A_332 = tpu.vector_load %arg7[%parallel_loop3A_330, %parallel_loop3A_331] {strides = array<i32>} : memref<64x200xi32, #tpu.memory_space<vmem>>, vector<1x16xi32>,
        %parallel_loop3A_333 = vector.shape_cast %parallel_loop3A_332 : vector<1x16xi32> to vector<16xi32>
        %parallel_loop3A_334 = arith.index_cast %parallel_loop3A_109 : i32 to index
        %parallel_loop3A_335 = arith.constant 176 : index
        %parallel_loop3A_336 = tpu.vector_load %arg9[%parallel_loop3A_334, %parallel_loop3A_335] {strides = array<i32>} : memref<64x200xi32, #tpu.memory_space<vmem>>, vector<1x16xi32>,
        %parallel_loop3A_337 = vector.shape_cast %parallel_loop3A_336 : vector<1x16xi32> to vector<16xi32>
        %parallel_loop3A_338 = arith.constant 10000 : i32
        %parallel_loop3A_339 = vector.broadcast %parallel_loop3A_338 : i32 to vector<16xi32>
        %parallel_loop3A_340 = arith.muli %parallel_loop3A_333, %parallel_loop3A_339 : vector<16xi32>
        %parallel_loop3A_341 = arith.addi %parallel_loop3A_340, %parallel_loop3A_337 : vector<16xi32>
        %parallel_loop3A_342 = arith.constant 200 : i32
        %parallel_loop3A_343 = arith.muli %parallel_loop3A_109, %parallel_loop3A_342 : i32
        %parallel_loop3A_344 = arith.constant 176 : i32
        %parallel_loop3A_345 = arith.addi %parallel_loop3A_343, %parallel_loop3A_344 : i32
        %parallel_loop3A_346 = arith.index_cast %parallel_loop3A_345 : i32 to index
        %parallel_loop3A_347 = tpu.vector_load %arg11[%parallel_loop3A_346] {strides = array<i32>} : memref<12800xi32, #tpu.memory_space<vmem>>, vector<16xi32>,
        %parallel_loop3A_348 = vector.shape_cast %parallel_loop3A_347 : vector<16xi32> to vector<16xi32>
        %parallel_loop3A_349 = vector.shape_cast %parallel_loop3A_341 : vector<16xi32> to vector<16xi32>
        tpu.vector_store %arg11[%parallel_loop3A_346], %parallel_loop3A_349 {strides = array<i32>} : memref<12800xi32, #tpu.memory_space<vmem>>, vector<16xi32>,
        %parallel_loop3A_350 = arith.index_cast %parallel_loop3A_109 : i32 to index
        %parallel_loop3A_351 = arith.constant 184 : index
        %parallel_loop3A_352 = tpu.vector_load %arg7[%parallel_loop3A_350, %parallel_loop3A_351] {strides = array<i32>} : memref<64x200xi32, #tpu.memory_space<vmem>>, vector<1x16xi32>,
        %parallel_loop3A_353 = vector.shape_cast %parallel_loop3A_352 : vector<1x16xi32> to vector<16xi32>
        %parallel_loop3A_354 = arith.index_cast %parallel_loop3A_109 : i32 to index
        %parallel_loop3A_355 = arith.constant 184 : index
        %parallel_loop3A_356 = tpu.vector_load %arg9[%parallel_loop3A_354, %parallel_loop3A_355] {strides = array<i32>} : memref<64x200xi32, #tpu.memory_space<vmem>>, vector<1x16xi32>,
        %parallel_loop3A_357 = vector.shape_cast %parallel_loop3A_356 : vector<1x16xi32> to vector<16xi32>
        %parallel_loop3A_358 = arith.constant 10000 : i32
        %parallel_loop3A_359 = vector.broadcast %parallel_loop3A_358 : i32 to vector<16xi32>
        %parallel_loop3A_360 = arith.muli %parallel_loop3A_353, %parallel_loop3A_359 : vector<16xi32>
        %parallel_loop3A_361 = arith.addi %parallel_loop3A_360, %parallel_loop3A_357 : vector<16xi32>
        %parallel_loop3A_362 = arith.constant 200 : i32
        %parallel_loop3A_363 = arith.muli %parallel_loop3A_109, %parallel_loop3A_362 : i32
        %parallel_loop3A_364 = arith.constant 184 : i32
        %parallel_loop3A_365 = arith.addi %parallel_loop3A_363, %parallel_loop3A_364 : i32
        %parallel_loop3A_366 = arith.index_cast %parallel_loop3A_365 : i32 to index
        %parallel_loop3A_367 = tpu.vector_load %arg11[%parallel_loop3A_366] {strides = array<i32>} : memref<12800xi32, #tpu.memory_space<vmem>>, vector<16xi32>,
        %parallel_loop3A_368 = vector.shape_cast %parallel_loop3A_367 : vector<16xi32> to vector<16xi32>
        %parallel_loop3A_369 = vector.shape_cast %parallel_loop3A_361 : vector<16xi32> to vector<16xi32>
        tpu.vector_store %arg11[%parallel_loop3A_366], %parallel_loop3A_369 {strides = array<i32>} : memref<12800xi32, #tpu.memory_space<vmem>>, vector<16xi32>,
      } {sc.loop_unroll_factor = 2 : i64, sc.parallel_access}
      %add3A_86 = arith.constant 2 : i32
      %add3A_87 = arith.addi %add3A_46, %add3A_86 : i32
      %lt3A_88 = arith.constant 8 : i32
      %lt3A_89 = arith.cmpi slt, %add3A_87, %lt3A_88 : i32
      %convert_element_type3A_90 = arith.extui %lt3A_89 : i1 to i32
      %cond3A_91 = arith.constant 0 : i32
      %cond3A_92 = arith.cmpi ne, %convert_element_type3A_90, %cond3A_91 : i32
      scf.if %cond3A_92 {
        %add3A_109 = arith.constant 2 : i32
        %add3A_110 = arith.addi %add3A_46, %add3A_109 : i32
        %mul3A_111 = arith.constant 64 : i32
        %mul3A_112 = arith.muli %add3A_110, %mul3A_111 : i32
        %add3A_113 = arith.addi %mul3A_2, %mul3A_112 : i32
        %dma_start3A_114 = arith.constant 0 : i32
        %dma_start3A_115 = tpu.memref_slice %arg3[%add3A_113, %dma_start3A_114] : memref<16384x200xi32, #tpu.memory_space<hbm>> -> memref<64x200xi32, #tpu.memory_space<hbm>>
        %dma_start3A_116 = arith.constant 0 : i32
        %dma_start3A_117 = tpu.memref_slice %arg3[%add3A_113, %dma_start3A_116] : memref<16384x200xi32, #tpu.memory_space<hbm>> -> memref<64x200xi32, #tpu.memory_space<hbm>>
        tpu.enqueue_dma source(%dma_start3A_117 : memref<64x200xi32, #tpu.memory_space<hbm>>) target(%arg7 : memref<64x200xi32, #tpu.memory_space<vmem>>) target_semaphore(%arg15 : memref<!tpu.dma_semaphore, #tpu.memory_space<semaphore_mem>>)
        %dma_start3A_118 = arith.constant 0 : i32
        %dma_start3A_119 = tpu.memref_slice %arg4[%add3A_113, %dma_start3A_118] : memref<16384x200xi32, #tpu.memory_space<hbm>> -> memref<64x200xi32, #tpu.memory_space<hbm>>
        %dma_start3A_120 = arith.constant 0 : i32
        %dma_start3A_121 = tpu.memref_slice %arg4[%add3A_113, %dma_start3A_120] : memref<16384x200xi32, #tpu.memory_space<hbm>> -> memref<64x200xi32, #tpu.memory_space<hbm>>
        tpu.enqueue_dma source(%dma_start3A_121 : memref<64x200xi32, #tpu.memory_space<hbm>>) target(%arg9 : memref<64x200xi32, #tpu.memory_space<vmem>>) target_semaphore(%arg15 : memref<!tpu.dma_semaphore, #tpu.memory_space<semaphore_mem>>)
      } else {
      }
      %dma_wait3A_93 = arith.constant 0 : i32
      %dma_wait3A_94 = tpu.memref_slice %arg2[%dma_wait3A_93] : memref<10240000xf32, #tpu.memory_space<hbm>> -> memref<10240000xf32, #tpu.memory_space<hbm>>
      tpu.wait_indirect_dma semaphore(%arg16 : memref<!tpu.dma_semaphore, #tpu.memory_space<semaphore_mem>>) src(%dma_wait3A_94 : memref<10240000xf32, #tpu.memory_space<hbm>>) dst(%arg12 : memref<12800xf32, #tpu.memory_space<vmem>>)
      %mul3A_95 = arith.constant 64 : i32
      %mul3A_96 = arith.muli %mul3A_44, %mul3A_95 : i32
      %add3A_97 = arith.addi %mul3A_2, %mul3A_96 : i32
      %mul3A_98 = arith.constant 200 : i32
      %mul3A_99 = arith.muli %add3A_97, %mul3A_98 : i32
      %dma_start3A_100 = tpu.memref_slice %arg5[%mul3A_99] : memref<3276800xf32, #tpu.memory_space<hbm>> -> memref<12800xf32, #tpu.memory_space<hbm>>
      %dma_start3A_101 = tpu.memref_slice %arg5[%mul3A_99] : memref<3276800xf32, #tpu.memory_space<hbm>> -> memref<12800xf32, #tpu.memory_space<hbm>>
      tpu.enqueue_dma source(%arg12 : memref<12800xf32, #tpu.memory_space<vmem>>) target(%dma_start3A_101 : memref<12800xf32, #tpu.memory_space<hbm>>) target_semaphore(%arg18 : memref<!tpu.dma_semaphore, #tpu.memory_space<semaphore_mem>>)
      %gt3A_102 = arith.constant 0 : i32
      %gt3A_103 = arith.cmpi sgt, %scan3A_42, %gt3A_102 : i32
      %convert_element_type3A_104 = arith.extui %gt3A_103 : i1 to i32
      %cond3A_105 = arith.constant 0 : i32
      %cond3A_106 = arith.cmpi ne, %convert_element_type3A_104, %cond3A_105 : i32
      scf.if %cond3A_106 {
        %dma_wait3A_109 = arith.constant 0 : i32
        %dma_wait3A_110 = tpu.memref_slice %arg5[%dma_wait3A_109] : memref<3276800xf32, #tpu.memory_space<hbm>> -> memref<12800xf32, #tpu.memory_space<hbm>>
        %dma_wait3A_111 = arith.constant 0 : i32
        %dma_wait3A_112 = tpu.memref_slice %arg5[%dma_wait3A_111] : memref<3276800xf32, #tpu.memory_space<hbm>> -> memref<12800xf32, #tpu.memory_space<hbm>>
        tpu.wait_dma2 semaphore(%arg19 : memref<!tpu.dma_semaphore, #tpu.memory_space<semaphore_mem>>) src(%arg13 : memref<12800xf32, #tpu.memory_space<vmem>>) dst(%dma_wait3A_112 : memref<12800xf32, #tpu.memory_space<hbm>>)
      } else {
      }
      %dma_start3A_107 = arith.constant 0 : i32
      %dma_start3A_108 = tpu.memref_slice %arg2[%dma_start3A_107] : memref<10240000xf32, #tpu.memory_space<hbm>> -> memref<10240000xf32, #tpu.memory_space<hbm>>
      tpu.enqueue_indirect_dma source(%dma_start3A_108 : memref<10240000xf32, #tpu.memory_space<hbm>>) target(%arg13 : memref<12800xf32, #tpu.memory_space<vmem>>) offsets(%arg11 : memref<12800xi32, #tpu.memory_space<vmem>>) semaphore(%arg17 : memref<!tpu.dma_semaphore, #tpu.memory_space<semaphore_mem>>)
    }
    %scan3A_26 = arith.constant 4 : i32
    %dma_wait3A = arith.constant 0 : i32
    %dma_wait3A_27 = tpu.memref_slice %arg2[%dma_wait3A] : memref<10240000xf32, #tpu.memory_space<hbm>> -> memref<10240000xf32, #tpu.memory_space<hbm>>
    tpu.wait_indirect_dma semaphore(%arg17 : memref<!tpu.dma_semaphore, #tpu.memory_space<semaphore_mem>>) src(%dma_wait3A_27 : memref<10240000xf32, #tpu.memory_space<hbm>>) dst(%arg13 : memref<12800xf32, #tpu.memory_space<vmem>>)
    %add3A_28 = arith.constant 448 : i32
    %add3A_29 = arith.addi %mul3A_2, %add3A_28 : i32
    %mul3A_30 = arith.constant 200 : i32
    %mul3A_31 = arith.muli %add3A_29, %mul3A_30 : i32
    %dma_start3A_32 = tpu.memref_slice %arg5[%mul3A_31] : memref<3276800xf32, #tpu.memory_space<hbm>> -> memref<12800xf32, #tpu.memory_space<hbm>>
    %dma_start3A_33 = tpu.memref_slice %arg5[%mul3A_31] : memref<3276800xf32, #tpu.memory_space<hbm>> -> memref<12800xf32, #tpu.memory_space<hbm>>
    tpu.enqueue_dma source(%arg13 : memref<12800xf32, #tpu.memory_space<vmem>>) target(%dma_start3A_33 : memref<12800xf32, #tpu.memory_space<hbm>>) target_semaphore(%arg19 : memref<!tpu.dma_semaphore, #tpu.memory_space<semaphore_mem>>)
    %dma_wait3A_34 = arith.constant 0 : i32
    %dma_wait3A_35 = tpu.memref_slice %arg5[%dma_wait3A_34] : memref<3276800xf32, #tpu.memory_space<hbm>> -> memref<12800xf32, #tpu.memory_space<hbm>>
    %dma_wait3A_36 = arith.constant 0 : i32
    %dma_wait3A_37 = tpu.memref_slice %arg5[%dma_wait3A_36] : memref<3276800xf32, #tpu.memory_space<hbm>> -> memref<12800xf32, #tpu.memory_space<hbm>>
    tpu.wait_dma2 semaphore(%arg18 : memref<!tpu.dma_semaphore, #tpu.memory_space<semaphore_mem>>) src(%arg12 : memref<12800xf32, #tpu.memory_space<vmem>>) dst(%dma_wait3A_37 : memref<12800xf32, #tpu.memory_space<hbm>>)
    %dma_wait3A_38 = arith.constant 0 : i32
    %dma_wait3A_39 = tpu.memref_slice %arg5[%dma_wait3A_38] : memref<3276800xf32, #tpu.memory_space<hbm>> -> memref<12800xf32, #tpu.memory_space<hbm>>
    %dma_wait3A_40 = arith.constant 0 : i32
    %dma_wait3A_41 = tpu.memref_slice %arg5[%dma_wait3A_40] : memref<3276800xf32, #tpu.memory_space<hbm>> -> memref<12800xf32, #tpu.memory_space<hbm>>
    tpu.wait_dma2 semaphore(%arg19 : memref<!tpu.dma_semaphore, #tpu.memory_space<semaphore_mem>>) src(%arg13 : memref<12800xf32, #tpu.memory_space<vmem>>) dst(%dma_wait3A_41 : memref<12800xf32, #tpu.memory_space<hbm>>)
    return
  }
}

</mosaic_0001>

<sc_bundles>
// kernel: kernel.3.cloned.1.call-start
scs
__scs_entry_jumppad:
0x0: {  	(pc) =	sbr.rel $0x88, $3  }
0x1: {  	(tag) =	ssettag $0x0;
	lr =	simm.s32 $0x1  }
0x2: {  	[smem:$0x3F9E] =	sst lr;
	_ =	strace $0xD0000000  }
0x3: {  	_ = 	snop  }
0x4: {  	_ = 	snop  }
0x5: {  	_ = 	snop  }
0x6: {  	_ = 	snop  }
0x7: {  	_ = 	snop  }
__scs_overlays_trampoline_lowered:
0x8: {  	[smem:$0x3FAD] =	sst s0  }
0x9: {  	[smem:$0x3FAE] =	sst s1  }
0xa: {  	[smem:$0x3FAF] =	sst s2  }
0xb: {  	[smem:$0x3FB0] =	sst s3  }
0xc: {  	[smem:$0x3FB1] =	sst s4  }
0xd: {  	[smem:$0x3FB2] =	sst s5  }
0xe: {  	[smem:$0x3FB3] =	sst s6  }
0xf: {  	[smem:$0x3FB4] =	sst s7  }
0x10: {  	[smem:$0x3FB5] =	sst s8  }
0x11: {  	[smem:$0x3FB6] =	sst s9;
	s0 =	simm.s32 @!p0 $0x0  }
0x12: {  	s1 =	sld [smem:$0x3F9C];
	s0 =	simm.s32 @p0 $0x1  }
0x13: {  	[smem:$0x3FB7] =	sst s0;
	s0 =	simm.s32 @!p1 $0x0  }
0x14: {  	s2 =	sld [smem:$0x3F9B];
	s0 =	simm.s32 @p1 $0x1  }
0x15: {  	[smem:$0x3FB8] =	sst s0;
	s0 =	simm.s32 @!p2 $0x0  }
0x16: {  	s3 =	sld [smem:$0x3FDB];
	s0 =	simm.s32 @p2 $0x1  }
0x17: {  	s4 =	simm.s32 $0x1BF5;
	[smem:$0x3FBA] =	sst s0  }
0x18: {  	s0 =	sld [smem:$0x3F9D];
	_ =	swait.ge [sflag:s4], $0x0  }
0x19: {  	s7 =	sld [smem:$0x3F9E]  }
0x1a: {  	s8 =	sadd.s32 $0xFFFFE003, lr  }
0x1b: {  	s9 =	sadd.s32 $0xFFFFFEF7, lr;
	s5 =	simm.s32 $0xFFFFFFFF;
	p2 =	slt.u32 s8, $0xFFFFF086  }
0x1c: {  	p1 =	slt.u32 s9, $0xF7A;
	s5 =	simm.s32 @!p2 $0x0  }
0x1d: {  	s5 =	simm.s32 @p1 $0x1;
	p0 =	seq.s32 s7, s2  }
0x1e: {  	s7 =	smul.u32 @!p0 $0xF7A, s2;
	p2 =	seq.s32 @!p0 s5, $0x0  }
0x1f: {  	s9 =	smul.u32 $0xF7A, s1;
	s8 =	simm.s32 @!p0 $0x1BF5;
	p2 =	por !p2, p0  }
0x20: {  	[sflag:s8] =	ssyncset.s32 @!p0 $0xFFFFF086;
	s6 =	sadd.s32 @!p0 s3, s7;
	s7 =	simm.s32 @!p0 $0x108  }
0x21: {  	s3 =	sadd.s32 s3, s9;
	s6 =	sadd.s32 @!p0 $0x88, s6;
	s7 =	simm.s32 @p2 $0x1082  }
0x22: {  	[simem:s7], [sflag:s8] =	dma.local @!p0 [hbm:s6], $0xF7A  }
0x23: {  	s9 =	sor.u32 $0xD0000000, s2;
	s6 =	simm.s32 $0x108;
	_ =	swait.ge @!p0 [sflag:s8], $0x0  }
0x24: {  	s3 =	sadd.s32 $0x88, s3;
	s6 =	simm.s32 @!p1 $0x1082;
	[sflag:s4] =	ssyncset.s32 $0xFFFFF086  }
0x25: {  	[simem:s6], [sflag:s4] =	dma.local [hbm:s3], $0xF7A  }
0x26: {  	[smem:$0x3F9E] =	sst s1;
	(tag) =	ssettag s2;
	_ =	strace s9  }
0x27: {  	s1 =	sld [smem:$0x3FAE]  }
0x28: {  	s2 =	sld [smem:$0x3FAF]  }
0x29: {  	s4 =	sld [smem:$0x3FB1]  }
0x2a: {  	p0 =	seq.s32 s5, $0x0;
	s5 =	sld [smem:$0x3FB2]  }
0x2b: {  	s6 =	sld [smem:$0x3FB3]  }
0x2c: {  	s7 =	sld [smem:$0x3FB4]  }
0x2d: {  	s3 =	simm.s32 $0x108;
	s8 =	sld [smem:$0x3FB5]  }
0x2e: {  	s3 =	simm.s32 @!p0 $0x1082;
	s9 =	sld [smem:$0x3FB6]  }
0x2f: {  	lr =	sadd.s32 s0, s3;
	s0 =	sld [smem:$0x3FAD]  }
0x30: {  	s3 =	sld [smem:$0x3FB0]  }
0x31: {  	[smem:$0x3FB9] =	sst s10  }
0x32: {  	s10 =	sld [smem:$0x3FB7];
	_ =	sdelay $0x3  }
0x33: {  	p0 =	seq.s32 s10, $0x1;
	s10 =	sld [smem:$0x3FB9];
	_ =	sdelay $0x3  }
0x34: {  	[smem:$0x3FB9] =	sst s10  }
0x35: {  	s10 =	sld [smem:$0x3FB8];
	_ =	sdelay $0x3  }
0x36: {  	p1 =	seq.s32 s10, $0x1;
	s10 =	sld [smem:$0x3FB9];
	_ =	sdelay $0x3  }
0x37: {  	[smem:$0x3FB9] =	sst s10  }
0x38: {  	s10 =	sld [smem:$0x3FBA]  }
0x39: {  	_ = 	snop;
	(pc) =	sbr.ind lr, $3  }
0x3a: {  	_ = 	snop  }
0x3b: {  	_ = 	snop  }
0x3c: {  	p2 =	seq.s32 s10, $0x1;
	s10 =	sld [smem:$0x3FB9]  }
0x3d: {  	_ =	shalt  }
0x3e: {  	_ =	shalt  }
0x3f: {  	_ =	shalt  }
0x40: {  	_ =	shalt  }
0x41: {  	_ =	shalt  }
0x42: {  	_ =	shalt  }
0x43: {  	_ =	shalt  }
0x44: {  	_ =	shalt  }
0x45: {  	_ =	shalt  }
0x46: {  	_ =	shalt  }
0x47: {  	_ =	shalt  }
0x48: {  	_ =	shalt  }
0x49: {  	_ =	shalt  }
0x4a: {  	_ =	shalt  }
0x4b: {  	_ =	shalt  }
0x4c: {  	_ =	shalt  }
0x4d: {  	_ =	shalt  }
0x4e: {  	_ =	shalt  }
0x4f: {  	_ =	shalt  }
0x50: {  	_ =	shalt  }
0x51: {  	_ =	shalt  }
0x52: {  	_ =	shalt  }
0x53: {  	_ =	shalt  }
0x54: {  	_ =	shalt  }
0x55: {  	_ =	shalt  }
0x56: {  	_ =	shalt  }
0x57: {  	_ =	shalt  }
0x58: {  	_ =	shalt  }
0x59: {  	_ =	shalt  }
0x5a: {  	_ =	shalt  }
0x5b: {  	_ =	shalt  }
0x5c: {  	_ =	shalt  }
0x5d: {  	_ =	shalt  }
0x5e: {  	_ =	shalt  }
0x5f: {  	_ =	shalt  }
0x60: {  	_ =	shalt  }
0x61: {  	_ =	shalt  }
0x62: {  	_ =	shalt  }
0x63: {  	_ =	shalt  }
0x64: {  	_ =	shalt  }
0x65: {  	_ =	shalt  }
0x66: {  	_ =	shalt  }
0x67: {  	_ =	shalt  }
0x68: {  	_ =	shalt  }
0x69: {  	_ =	shalt  }
0x6a: {  	_ =	shalt  }
0x6b: {  	_ =	shalt  }
0x6c: {  	_ =	shalt  }
0x6d: {  	_ =	shalt  }
0x6e: {  	_ =	shalt  }
0x6f: {  	_ =	shalt  }
0x70: {  	_ =	shalt  }
0x71: {  	_ =	shalt  }
0x72: {  	_ =	shalt  }
0x73: {  	_ =	shalt  }
0x74: {  	_ =	shalt  }
0x75: {  	_ =	shalt  }
0x76: {  	_ =	shalt  }
0x77: {  	_ =	shalt  }
0x78: {  	_ =	shalt  }
0x79: {  	_ =	shalt  }
0x7a: {  	_ =	shalt  }
0x7b: {  	_ =	shalt  }
0x7c: {  	_ =	shalt  }
0x7d: {  	_ =	shalt  }
0x7e: {  	_ =	shalt  }
0x7f: {  	_ =	shalt  }
0x80: {  	_ =	shalt  }
0x81: {  	_ =	shalt  }
0x82: {  	_ =	shalt  }
0x83: {  	_ =	shalt  }
0x84: {  	_ =	shalt  }
0x85: {  	_ =	shalt  }
0x86: {  	_ =	shalt  }
0x87: {  	_ =	shalt  }
.Lfunc_end0:
.L_simem_size_0:
called_computation_lowered:
.L_overlay_start_0:
0x88: {  	s2 =	sld [smem:$0x3FD9]  }
0x89: {  	s3 =	sld [smem:$0x3FFE];
	_ =	sdelay $0x1  }
0x8a: {  	s1 =	srdreg.scid  }
0x8b: {  	s0 =	sand.u32 $0x1, s1  }
0x8c: {  	s17 =	sshll.u32 s0, $0xA;
	s2 =	sadd.s32 s3, s2  }
0x8d: {  	s2 =	sadd.s32 s2, s17  }
0x8e: {  	[smem:$0x3FC5] =	sst s2  }
0x8f: {  	_ = 	snop  }
0x90: {  	s2 =	sld [smem:$0x3FD0];
	(tm) =	ssettm $0x1  }
0x91: {  	s18 =	sld [smem:$0x3FFB];
	_ =	sdelay $0x3  }
0x92: {  	_ =	strace s18  }
0x93: {  	s3 =	sld [smem:$0x3FFC];
	_ =	sdelay $0x3  }
0x94: {  	_ =	strace s3  }
0x95: {  	s3 =	sld [smem:$0x3FFD];
	_ =	sdelay $0x3  }
0x96: {  	_ =	strace s3  }
0x97: {  	_ =	strace $0x8FFFFFFF  }
0x98: {  	s19 =	sld [smem:$0x3FDB];
	_ =	sdelay $0x1  }
0x99: {  	s4 =	simm.s32 $_scs_section_size  }
0x9a: {  	s5 =	simm.s32 $_size__tile_overlayer_lowered;
	s6 =	simm.s32 $_tile_overlayer_lowered  }
0x9b: {  	s22 =	simm.s32 $0x1BFF;
	s21 =	sshll.u32 s6, $0x1;
	s3 =	sadd.s32 s4, s19  }
0x9c: {  	s7 =	simm.s32 $0x0;
	s20 =	sshll.u32 s5, $0x1;
	s5 =	sadd.s32 s21, s3  }
0x9d: {  	[timem:s7], [sflag:s22] =	dma.local [hbm:s5], s20  }
0x9e: {  	_ =	swait.ge [sflag:s22], s20  }
0x9f: {  	s4 =	ssub.s32 $0x0, s20;
	[sflag:s22] =	ssyncset.done $0x0  }
0xa0: {  	[sflag:s22] =	ssyncadd.s32 s4;
	_ =	sdelay $0x1  }
0xa1: {  	s23 =	simm.s32 $0x1B8B  }
0xa2: {  	_ =	swait.ge [sflag:s23], $0x1  }
0xa3: {  	[sflag:s23] =	ssyncset.done $0x0  }
0xa4: {  	s25 =	simm.s32 $0x1B8E;
	s24 =	sld [smem:$0x3FFE];
	[sflag:s23] =	ssyncadd.s32 $0xFFFFFFFF  }
0xa5: {  	s26 =	simm.s32 $execute0_lowered;
	[smem:$0x3FD2] =	sst s25  }
0xa6: {  	s5 =	sshll.u32 s26, $0x1;
	_ =	strace $0x80000046;
	[dreg:$0x1] =	wrdreg $0xFFFFFFFF  }
0xa7: {  	s28 =	simm.s32 $_size_execute0_lowered;
	s3 =	sadd.s32 s3, s5;
	[dreg:$0x0] =	wrdreg $0x0  }
0xa8: {  	s5 =	sshll.u32 s28, $0x1;
	[dreg:$0x2] =	wrdreg s3  }
0xa9: {  	[dreg:$0x3] =	wrdreg s5  }
0xaa: {  	[dreg:$0x4] =	wrdreg $0xC0  }
0xab: {  	_ =	task [dreg:s7], $0x5FFFF  }
0xac: {  	[dreg:$0x1] =	wrdreg $0xFFFFFFFF  }
0xad: {  	[dreg:$0x0] =	wrdreg $0x60  }
0xae: {  	[dreg:$0x2] =	wrdreg s24  }
0xaf: {  	[dreg:$0x3] =	wrdreg s2  }
0xb0: {  	[dreg:$0x4] =	wrdreg $0x9  }
0xb1: {  	_ =	task.clear_ibuf [dreg:s7], $0x5FFFF;
	_ =	strace $0x90000046  }
0xb2: {  	s29 =	simm.s32 $0x9;
	_ =	strace $0x80000048  }
0xb3: {  	_ =	swait.ge [sflag:s29], $0x1  }
0xb4: {  	[sflag:s29] =	ssyncadd.s32 $0xFFFFFFFF  }
0xb5: {  	_ =	strace $0x90000048  }
0xb6: {  	_ =	sfence  }
0xb7: {  	s30 =	sld [smem:$0x0];
	_ =	sdelay $0x2  }
0xb8: {  	s31 =	sshll.u32 s1, $0xD;
	s1 =	sshrl.u32 s1, $0x2  }
0xb9: {  	s3 =	sand.u32 $0x4000, s31;
	s1 =	sadd.s32 s1, s30  }
0xba: {  	s0 =	sor.u32 s3, s0;
	s1 =	sshll.u32 s1, $0x11  }
0xbb: {  	s0 =	sor.u32 s1, s0  }
0xbc: {  	s0 =	sadd.s32 $0x8F2B, s0  }
0xbd: {  	[sflag:s0] =	ssyncadd.remote.s32 $0x1  }
0xbe: {  	_ =	sfence.sel $0xFFFF  }
0xbf: {  	[dreg:$0x0] =	wrdreg $0xFFFFFFFF;
	(pc) =	sbr.abs _section_cstart, $3  }
0xc0: {  	[dreg:$0x1] =	wrdreg $0xFFFFFFFF  }
0xc1: {  	_ =	task.clear_ibuf [dreg:s7], $0x2FFFF;
	_ =	strace $0x9FFFFFFF  }
0xc2: {  	(tm) =	ssettm $0x7FFFFFFF  }
0xc3: {  	_ =	shalt  }
tec
execute0_lowered:
.L_overlay_start_1:
0x0: {  	(tag) =	ssettag $0x1  }
0x1: {  	s0 =	rddreg [dreg:$0x0]  }
0x2: {  	s7 =	rddreg [dreg:$0x1];
	s21 =	simm.s32 $0x0  }
0x3: {  	s1 =	srdreg.scid;
	s3 =	stileid.u32;
	s20 =	simm.s32 $0x1  }
0x4: {  	[smem:$0x7FF] =	sst s21;
	s4 =	sadd.s32 $0x13E400, s0;
	s1 =	sand.u32 $0x1, s1  }
0x5: {  	s3 =	sshll.u32 s3, $0xA;
	s2 =	ssub.s32 $0x2, s1;
	s1 =	sshll.u32 s1, $0x9  }
0x6: {  	s5 =	sadd.s32 $0x2400, s0;
	s6 =	sadd.s32 $0x82400, s0;
	s8 =	sor.u32 s1, s3  }
0x7: {  	_ =	strace $0x80000047;
	s1 =	sshll.u32 s8, $0x5;
	s30 =	sadd.s32 $0xFFFFFFC0, s8  }
0x8: {  	s23 =	sshrl.u32 s2, $0x1;
	s25 =	sadd.s32 s5, s1;
	[dreg:$0x8] =	wrdreg s30  }
0x9: {  	s0 =	ssub.s32 s2, s23;
	s26 =	sadd.s32 s6, s1;
	[dreg:$0x3] =	wrdreg s25  }
0xa: {  	v0 =	vimm.s32 $0xFEDCBA98;
	s24 =	smul.u32 $0xC8, s8;
	s29 =	sor.u32 $0x1000, s1;
	[dreg:$0x4] =	wrdreg s26  }
0xb: {  	v1 =	vimm.s32 $0x76543210;
	v0 =	vunpack.c.l.s4.s8 v0;
	s28 =	sor.u32 $0x800, s1;
	s1 =	sor.u32 $0x1800, s1;
	[dreg:$0x7] =	wrdreg s29  }
0xc: {  	v1 =	vunpack.c.l.s4.s8 v1;
	s23 =	smov.u32 s8;
	s0 =	smax.u32 s0, $0x1;
	[dreg:$0x9] =	wrdreg s1  }
0xd: {  	v0 =	vunpack.c.0.s8.s32 v0;
	s9 =	sadd.s32 s5, s28;
	s2 =	sshrl.u32 s24, $0x3;
	[dreg:$0xb] =	wrdreg s0  }
0xe: {  	v1 =	vunpack.c.0.s8.s32 v1;
	s3 =	sadd.s32 s6, s28;
	[dreg:$0x5] =	wrdreg s9;
	s2 =	sadd.s32 s7, s2  }
0xf: {  	v0 =	vand.u32 $0xF, v0;
	s24 =	simm.s32 $0x2;
	[dreg:$0x6] =	wrdreg s3;
	s31 =	sadd.s32 $0x2BC0, s2  }
0x10: {  	vm0 =	vmmov $0xff;
	s25 =	simm.s32 $0x3;
	v0 =	vcombine.low v0, v1;
	s2 =	simm.s32 $0x0;
	[dreg:$0xa] =	wrdreg s31  }
.LBB2_1:
0x11: {  	[dreg:$0xc] =	wrdreg s2  }
0x12: {  	s0 =	rddreg [dreg:$0x3]  }
0x13: {  	[tilespmem:s21], [sflag:$0x1] =	stream.linear.gather [hbm4b:s0+s21], $0x4000, $0x38;
	[tilespmem:$0x1C800] =	vst v63  }
0x14: {  	s26 =	rddreg [dreg:$0x4];
	s1 =	simm.s32 $0x8000  }
0x15: {  	[tilespmem:s1], [sflag:$0x1] =	stream.linear.gather [hbm4b:s26+s21], $0x4000, $0x38;
	[tilespmem:$0x1C800] =	vst v63  }
0x16: {  	s28 =	rddreg [dreg:$0x5];
	s29 =	simm.s32 $0x4000  }
0x17: {  	[tilespmem:s29], [sflag:$0x2] =	stream.linear.gather [hbm4b:s28+s21], $0x4000, $0x38;
	[tilespmem:$0x1C800] =	vst v63  }
0x18: {  	s30 =	rddreg [dreg:$0x6];
	s31 =	simm.s32 $0xC000;
	s3 =	simm.s32 $0x0  }
0x19: {  	[tilespmem:s31], [sflag:$0x2] =	stream.linear.gather [hbm4b:s30+s21], $0x4000, $0x38;
	[tilespmem:$0x1C800] =	vst v63  }
.LBB2_2:
0x1a: {  	_ =	swait.ge [sflag:s20], $0x4000  }
0x1b: {  	[sflag:s20] =	ssyncset.done $0x0  }
0x1c: {  	[sflag:s20] =	ssyncadd.s32 $0xFFFFC000  }
0x1d: {  	s0 =	simm.s32 $0x0;
	s2 =	simm.s32 $0x0;
	_ =	swait.ge [sflag:s20], $0x4000  }
0x1e: {  	s1 =	sand.u32 $0x3800, s0;
	s11 =	sand.u32 $0x300, s2;
	[sflag:s20] =	ssyncset.done $0x0  }
0x1f: {  	s9 =	sor.u32 s11, s1;
	[sflag:s20] =	ssyncadd.s32 $0xFFFFC000  }
0x20: {  	v1 =	vld [tilespmem:s9+$0x0];
	_ =	sdelay $0x1  }
0x21: {  	v2 =	vld [tilespmem:s9+$0x8000];
	_ =	sdelay $0x2  }
0x22: {  	v1 =	vmul.u32 $0x2710, v1;
	_ =	sdelay $0x1  }
0x23: {  	s17 =	simm.s32 $0x100C8;
	v1 =	vadd.s32 v2, v1  }
0x24: {  	[tilespmem:s17+$0xFFFFFF38] =	vst v1  }
0x25: {  	v1 =	vld [tilespmem:s9+$0x10];
	_ =	sdelay $0x1  }
0x26: {  	v2 =	vld [tilespmem:s9+$0x8010];
	_ =	sdelay $0x2  }
0x27: {  	v1 =	vmul.u32 $0x2710, v1;
	_ =	sdelay $0x1  }
0x28: {  	v1 =	vadd.s32 v2, v1  }
0x29: {  	[tilespmem:s17+$0xFFFFFF48] =	vst v1  }
0x2a: {  	v1 =	vld [tilespmem:s9+$0x20];
	_ =	sdelay $0x1  }
0x2b: {  	v2 =	vld [tilespmem:s9+$0x8020];
	_ =	sdelay $0x2  }
0x2c: {  	v1 =	vmul.u32 $0x2710, v1;
	_ =	sdelay $0x1  }
0x2d: {  	v1 =	vadd.s32 v2, v1  }
0x2e: {  	[tilespmem:s17+$0xFFFFFF58] =	vst v1  }
0x2f: {  	v1 =	vld [tilespmem:s9+$0x30];
	_ =	sdelay $0x1  }
0x30: {  	v2 =	vld [tilespmem:s9+$0x8030];
	_ =	sdelay $0x2  }
0x31: {  	v1 =	vmul.u32 $0x2710, v1;
	_ =	sdelay $0x1  }
0x32: {  	v1 =	vadd.s32 v2, v1  }
0x33: {  	[tilespmem:s17+$0xFFFFFF68] =	vst v1  }
0x34: {  	v1 =	vld [tilespmem:s9+$0x40];
	_ =	sdelay $0x1  }
0x35: {  	v2 =	vld [tilespmem:s9+$0x8040];
	_ =	sdelay $0x2  }
0x36: {  	v1 =	vmul.u32 $0x2710, v1;
	_ =	sdelay $0x1  }
0x37: {  	v1 =	vadd.s32 v2, v1  }
0x38: {  	[tilespmem:s17+$0xFFFFFF78] =	vst v1  }
0x39: {  	v1 =	vld [tilespmem:s9+$0x50];
	_ =	sdelay $0x1  }
0x3a: {  	v2 =	vld [tilespmem:s9+$0x8050];
	_ =	sdelay $0x1  }
0x3b: {  	s12 =	simm.s32 $0x100;
	s13 =	simm.s32 $0x200  }
0x3c: {  	s0 =	sand.u32 $0x3800, s13;
	s2 =	sand.u32 $0x300, s12;
	v1 =	vmul.u32 $0x2710, v1  }
0x3d: {  	s8 =	sor.u32 s2, s0  }
0x3e: {  	v3 =	vld [tilespmem:s8+$0x0];
	v1 =	vadd.s32 v2, v1  }
0x3f: {  	v2 =	vld [tilespmem:s8+$0x8000];
	[tilespmem:s17+$0xFFFFFF88] =	vst v1  }
0x40: {  	v1 =	vld [tilespmem:s9+$0x60];
	_ =	sdelay $0x1  }
0x41: {  	v4 =	vld [tilespmem:s9+$0x8060]  }
0x42: {  	v3 =	vmul.u32 $0x2710, v3;
	_ =	sdelay $0x1  }
0x43: {  	s18 =	simm.s32 $0x10258;
	v2 =	vadd.s32 v2, v3;
	v1 =	vmul.u32 $0x2710, v1  }
0x44: {  	[tilespmem:s18+$0xFFFFFF38] =	vst v2  }
0x45: {  	v2 =	vld [tilespmem:s8+$0x10];
	v1 =	vadd.s32 v4, v1  }
0x46: {  	v3 =	vld [tilespmem:s8+$0x8010];
	[tilespmem:s17+$0xFFFFFF98] =	vst v1  }
0x47: {  	v1 =	vld [tilespmem:s9+$0x70];
	_ =	sdelay $0x1  }
0x48: {  	v4 =	vld [tilespmem:s9+$0x8070]  }
0x49: {  	v2 =	vmul.u32 $0x2710, v2;
	_ =	sdelay $0x1  }
0x4a: {  	v2 =	vadd.s32 v3, v2;
	v1 =	vmul.u32 $0x2710, v1  }
0x4b: {  	[tilespmem:s18+$0xFFFFFF48] =	vst v2  }
0x4c: {  	v2 =	vld [tilespmem:s8+$0x20];
	v1 =	vadd.s32 v4, v1  }
0x4d: {  	v3 =	vld [tilespmem:s8+$0x8020];
	[tilespmem:s17+$0xFFFFFFA8] =	vst v1  }
0x4e: {  	v1 =	vld [tilespmem:s9+$0x400];
	_ =	sdelay $0x1  }
0x4f: {  	v4 =	vld [tilespmem:s9+$0x8400]  }
0x50: {  	v2 =	vmul.u32 $0x2710, v2;
	_ =	sdelay $0x1  }
0x51: {  	v2 =	vadd.s32 v3, v2;
	v1 =	vmul.u32 $0x2710, v1  }
0x52: {  	s14 =	simm.s32 $0x0;
	[tilespmem:s18+$0xFFFFFF58] =	vst v2  }
0x53: {  	s2 =	sand.u32 $0x3FF0, s14;
	v2 =	vld [tilespmem:s8+$0x30];
	v1 =	vadd.s32 v4, v1  }
0x54: {  	v3 =	vld [tilespmem:s8+$0x8030];
	[tilespmem:s2+$0x10080] =	vst v1  }
0x55: {  	v1 =	vld [tilespmem:s9+$0x410];
	_ =	sdelay $0x1  }
0x56: {  	v4 =	vld [tilespmem:s9+$0x8410]  }
0x57: {  	v2 =	vmul.u32 $0x2710, v2;
	_ =	sdelay $0x1  }
0x58: {  	v2 =	vadd.s32 v3, v2;
	v1 =	vmul.u32 $0x2710, v1  }
0x59: {  	[tilespmem:s18+$0xFFFFFF68] =	vst v2  }
0x5a: {  	v2 =	vld [tilespmem:s8+$0x40];
	v1 =	vadd.s32 v4, v1  }
0x5b: {  	v3 =	vld [tilespmem:s8+$0x8040];
	[tilespmem:s17+$0xFFFFFFC8] =	vst v1  }
0x5c: {  	v1 =	vld [tilespmem:s9+$0x420];
	_ =	sdelay $0x1  }
0x5d: {  	v4 =	vld [tilespmem:s9+$0x8420]  }
0x5e: {  	v2 =	vmul.u32 $0x2710, v2;
	_ =	sdelay $0x1  }
0x5f: {  	v2 =	vadd.s32 v3, v2;
	v1 =	vmul.u32 $0x2710, v1  }
0x60: {  	[tilespmem:s18+$0xFFFFFF78] =	vst v2  }
0x61: {  	s15 =	simm.s32 $0x80;
	v2 =	vld [tilespmem:s8+$0x50];
	v1 =	vadd.s32 v4, v1  }
0x62: {  	s2 =	sand.u32 $0x380, s15;
	v3 =	vld [tilespmem:s8+$0x8050];
	[tilespmem:s17+$0xFFFFFFD8] =	vst v1  }
0x63: {  	s11 =	sor.u32 s1, s2;
	v1 =	vld [tilespmem:s9+$0x430]  }
0x64: {  	v5 =	vld [tilespmem:s11+$0x0]  }
0x65: {  	s16 =	simm.s32 $0x200;
	s19 =	simm.s32 $0x400;
	v4 =	vld [tilespmem:s9+$0x8430]  }
0x66: {  	s2 =	sand.u32 $0x3800, s19;
	s1 =	sand.u32 $0x300, s16;
	v2 =	vmul.u32 $0x2710, v2  }
0x67: {  	v6 =	vld [tilespmem:s11+$0x8000];
	s10 =	sor.u32 s1, s2  }
0x68: {  	v2 =	vadd.s32 v3, v2;
	v3 =	vld [tilespmem:s10+$0x0];
	v1 =	vmul.u32 $0x2710, v1  }
0x69: {  	v7 =	vld [tilespmem:s10+$0x8000];
	[tilespmem:s18+$0xFFFFFF88] =	vst v2  }
0x6a: {  	v8 =	vld [tilespmem:s8+$0x60];
	v1 =	vadd.s32 v4, v1;
	v4 =	vmul.u32 $0x2710, v5  }
0x6b: {  	s22 =	sor.u32 $0x440, s9;
	v5 =	vld [tilespmem:s8+$0x8060];
	[tilespmem:s17+$0xFFFFFFE8] =	vst v1  }
0x6c: {  	s26 =	sor.u32 $0x8440, s9;
	v2 =	vld.msk [tilespmem:s22+$0x0], $0xff;
	v4 =	vadd.s32 v6, v4  }
0x6d: {  	v3 =	vmul.u32 $0x2710, v3;
	v1 =	vld.msk [tilespmem:s26+$0x0], $0xff;
	[tilespmem:s17+$0x0] =	vst v4  }
0x6e: {  	v4 =	vld [tilespmem:s11+$0x10]  }
0x6f: {  	s19 =	simm.s32 $0x103E8;
	v3 =	vadd.s32 v7, v3;
	v6 =	vmul.u32 $0x2710, v8  }
0x70: {  	[tilespmem:s19+$0xFFFFFF38] =	vst v3;
	v3 =	vld [tilespmem:s11+$0x8010]  }
0x71: {  	v7 =	vld [tilespmem:s10+$0x10];
	v5 =	vadd.s32 v5, v6  }
0x72: {  	v6 =	vld [tilespmem:s10+$0x8010];
	[tilespmem:s18+$0xFFFFFF98] =	vst v5  }
0x73: {  	v5 =	vld [tilespmem:s8+$0x70];
	v4 =	vmul.u32 $0x2710, v4;
	_ =	sdelay $0x1  }
0x74: {  	v8 =	vld [tilespmem:s8+$0x8070];
	v3 =	vadd.s32 v3, v4  }
0x75: {  	v4 =	vmul.u32 $0x2710, v7;
	[tilespmem:s17+$0x10] =	vst v3  }
0x76: {  	v3 =	vld [tilespmem:s11+$0x20]  }
0x77: {  	v5 =	vmul.u32 $0x2710, v5;
	v4 =	vadd.s32 v6, v4  }
0x78: {  	[tilespmem:s19+$0xFFFFFF48] =	vst v4;
	v4 =	vld [tilespmem:s11+$0x8020]  }
0x79: {  	v5 =	vadd.s32 v8, v5;
	v6 =	vld [tilespmem:s10+$0x20]  }
0x7a: {  	v7 =	vld [tilespmem:s10+$0x8020];
	[tilespmem:s18+$0xFFFFFFA8] =	vst v5  }
0x7b: {  	v5 =	vld [tilespmem:s8+$0x400];
	v3 =	vmul.u32 $0x2710, v3;
	_ =	sdelay $0x1  }
0x7c: {  	v8 =	vld [tilespmem:s8+$0x8400];
	v3 =	vadd.s32 v4, v3  }
0x7d: {  	v4 =	vmul.u32 $0x2710, v6;
	[tilespmem:s17+$0x20] =	vst v3  }
0x7e: {  	v3 =	vld [tilespmem:s11+$0x30]  }
0x7f: {  	v5 =	vmul.u32 $0x2710, v5;
	v4 =	vadd.s32 v7, v4  }
0x80: {  	s30 =	simm.s32 $0x190;
	[tilespmem:s19+$0xFFFFFF58] =	vst v4;
	v4 =	vld [tilespmem:s11+$0x8030]  }
0x81: {  	s1 =	sand.u32 $0x3FF0, s30;
	v5 =	vadd.s32 v8, v5;
	v6 =	vld [tilespmem:s10+$0x30]  }
0x82: {  	v7 =	vld [tilespmem:s10+$0x8030];
	[tilespmem:s1+$0x10080] =	vst v5  }
0x83: {  	v5 =	vld [tilespmem:s8+$0x410];
	v3 =	vmul.u32 $0x2710, v3;
	_ =	sdelay $0x1  }
0x84: {  	v8 =	vld [tilespmem:s8+$0x8410];
	v3 =	vadd.s32 v4, v3  }
0x85: {  	v4 =	vmul.u32 $0x2710, v6;
	[tilespmem:s17+$0x30] =	vst v3  }
0x86: {  	v3 =	vld [tilespmem:s11+$0x40]  }
0x87: {  	v5 =	vmul.u32 $0x2710, v5;
	v4 =	vadd.s32 v7, v4  }
0x88: {  	[tilespmem:s19+$0xFFFFFF68] =	vst v4;
	v4 =	vld [tilespmem:s11+$0x8040]  }
0x89: {  	v5 =	vadd.s32 v8, v5;
	v6 =	vld [tilespmem:s10+$0x40]  }
0x8a: {  	v7 =	vld [tilespmem:s10+$0x8040];
	[tilespmem:s18+$0xFFFFFFC8] =	vst v5  }
0x8b: {  	s7 =	simm.s32 $0x300;
	s26 =	simm.s32 $0x600;
	v5 =	vld [tilespmem:s8+$0x420];
	v3 =	vmul.u32 $0x2710, v3  }
0x8c: {  	s13 =	sand.u32 $0x3800, s26;
	s1 =	sand.u32 $0x300, s7  }
0x8d: {  	s15 =	sor.u32 s1, s13;
	v8 =	vld [tilespmem:s8+$0x8420];
	v3 =	vadd.s32 v4, v3  }
0x8e: {  	v9 =	vld [tilespmem:s15+$0x0];
	[tilespmem:s17+$0x40] =	vst v3;
	v3 =	vmul.u32 $0x2710, v6  }
0x8f: {  	v6 =	vld [tilespmem:s11+$0x50]  }
0x90: {  	v4 =	vld [tilespmem:s15+$0x8000];
	v5 =	vmul.u32 $0x2710, v5;
	v3 =	vadd.s32 v7, v3  }
0x91: {  	v7 =	vld [tilespmem:s11+$0x8050];
	[tilespmem:s19+$0xFFFFFF78] =	vst v3  }
0x92: {  	s12 =	simm.s32 $0x180;
	v3 =	vadd.s32 v8, v5;
	v5 =	vld [tilespmem:s10+$0x50]  }
0x93: {  	s1 =	sand.u32 $0x380, s12;
	v8 =	vld [tilespmem:s10+$0x8050];
	[tilespmem:s18+$0xFFFFFFD8] =	vst v3  }
0x94: {  	s16 =	sor.u32 s0, s1;
	v3 =	vmul.u32 $0x2710, v6;
	v6 =	vld [tilespmem:s8+$0x430]  }
0x95: {  	v10 =	vld [tilespmem:s16+$0x8000]  }
0x96: {  	v9 =	vmul.u32 $0x2710, v9;
	v11 =	vld [tilespmem:s8+$0x8430];
	v3 =	vadd.s32 v7, v3  }
0x97: {  	v7 =	vld [tilespmem:s16+$0x0];
	[tilespmem:s17+$0x50] =	vst v3;
	v3 =	vmul.u32 $0x2710, v5  }
0x98: {  	s1 =	simm.s32 $0x10578;
	v4 =	vadd.s32 v4, v9;
	v5 =	vld [tilespmem:s11+$0x60]  }
0x99: {  	[tilespmem:s1+$0xFFFFFF38] =	vst v4;
	v3 =	vadd.s32 v8, v3;
	v4 =	vmul.u32 $0x2710, v6;
	v6 =	vld [tilespmem:s11+$0x8060]  }
0x9a: {  	v8 =	vld [tilespmem:s15+$0x10];
	[tilespmem:s19+$0xFFFFFF88] =	vst v3  }
0x9b: {  	v9 =	vld [tilespmem:s10+$0x60];
	v3 =	vadd.s32 v11, v4  }
0x9c: {  	s14 =	sor.u32 $0x440, s8;
	v7 =	vmul.u32 $0x2710, v7;
	v11 =	vld [tilespmem:s10+$0x8060];
	[tilespmem:s18+$0xFFFFFFE8] =	vst v3  }
0x9d: {  	s22 =	sor.u32 $0x8440, s8;
	v5 =	vmul.u32 $0x2710, v5;
	v4 =	vld.msk [tilespmem:s14+$0x0], $0xff  }
0x9e: {  	v7 =	vadd.s32 v10, v7;
	v3 =	vld.msk [tilespmem:s22+$0x0], $0xff  }
0x9f: {  	v10 =	vld [tilespmem:s15+$0x8010];
	[tilespmem:s18+$0x0] =	vst v7;
	v5 =	vadd.s32 v6, v5  }
0xa0: {  	v6 =	vld [tilespmem:s16+$0x10];
	[tilespmem:s17+$0x60] =	vst v5  }
0xa1: {  	s30 =	simm.s32 $0x280;
	v5 =	vmul.u32 $0x2710, v9;
	v7 =	vld [tilespmem:s11+$0x70]  }
0xa2: {  	s0 =	sand.u32 $0x380, s30;
	v8 =	vmul.u32 $0x2710, v8;
	v9 =	vld [tilespmem:s16+$0x8010]  }
0xa3: {  	s0 =	sor.u32 s2, s0;
	v5 =	vadd.s32 v11, v5;
	v11 =	vld [tilespmem:s11+$0x8070]  }
0xa4: {  	v8 =	vadd.s32 v10, v8;
	[tilespmem:s19+$0xFFFFFF98] =	vst v5;
	v5 =	vld [tilespmem:s0+$0x8000]  }
0xa5: {  	[tilespmem:s1+$0xFFFFFF48] =	vst v8;
	v8 =	vld [tilespmem:s10+$0x70];
	v6 =	vmul.u32 $0x2710, v6  }
0xa6: {  	v10 =	vld [tilespmem:s15+$0x20];
	v7 =	vmul.u32 $0x2710, v7  }
0xa7: {  	v12 =	vld [tilespmem:s10+$0x8070];
	v6 =	vadd.s32 v9, v6  }
0xa8: {  	v9 =	vld [tilespmem:s15+$0x8020];
	[tilespmem:s18+$0x10] =	vst v6;
	v6 =	vadd.s32 v11, v7  }
0xa9: {  	v7 =	vld [tilespmem:s16+$0x20];
	[tilespmem:s17+$0x70] =	vst v6  }
0xaa: {  	v6 =	vmul.u32 $0x2710, v8;
	v11 =	vld [tilespmem:s11+$0x400]  }
0xab: {  	v13 =	vld [tilespmem:s16+$0x8020];
	v8 =	vmul.u32 $0x2710, v10  }
0xac: {  	v63 =	vld [tilespmem:s11+$0x8400];
	v6 =	vadd.s32 v12, v6  }
0xad: {  	v8 =	vadd.s32 v9, v8;
	[tilespmem:s19+$0xFFFFFFA8] =	vst v6;
	v6 =	vld [tilespmem:s0+$0x0]  }
0xae: {  	[tilespmem:s1+$0xFFFFFF58] =	vst v8;
	v8 =	vld [tilespmem:s10+$0x400];
	v9 =	vmul.u32 $0x2710, v7  }
0xaf: {  	v10 =	vld [tilespmem:s15+$0x8030];
	v14 =	vmul.u32 $0x2710, v11  }
0xb0: {  	s28 =	simm.s32 $0x380;
	s7 =	simm.s32 $0xC8;
	v7 =	vld [tilespmem:s10+$0x8400];
	v9 =	vadd.s32 v13, v9  }
0xb1: {  	s29 =	simm.s32 $0x6;
	s31 =	simm.s32 $0x10578;
	s12 =	sand.u32 $0x3FF8, s7;
	v11 =	vld [tilespmem:s15+$0x30];
	[tilespmem:s18+$0x20] =	vst v9;
	v12 =	vadd.s32 v63, v14  }
0xb2: {  	s7 =	simm.s32 $0x480;
	s2 =	simm.s32 $0x258;
	s22 =	simm.s32 $0x258;
	v9 =	vld [tilespmem:s16+$0x30];
	[tilespmem:s12+$0x10080] =	vst v12  }
.LBB2_3:
0xb3: {  	s12 =	sadd.s32 $0xFFFFFF80, s7;
	s26 =	sadd.s32 $0x200, s26;
	v8 =	vmul.u32 $0x2710, v8;
	s2 =	sadd.s32 $0x190, s2;
	v12 =	vld [tilespmem:s11+$0x410]  }
0xb4: {  	s30 =	sand.u32 $0x3800, s26;
	s12 =	sand.u32 $0x300, s12;
	s14 =	sadd.s32 $0xFFFFFF38, s2;
	v13 =	vld [tilespmem:s16+$0x8030]  }
0xb5: {  	s12 =	sor.u32 s12, s30;
	v7 =	vadd.s32 v7, v8;
	s14 =	sand.u32 $0x3FF0, s14;
	v8 =	vld [tilespmem:s11+$0x8410]  }
0xb6: {  	v14 =	vld [tilespmem:s12+$0x8000];
	v11 =	vmul.u32 $0x2710, v11;
	[tilespmem:s14+$0x10080] =	vst v7  }
0xb7: {  	v7 =	vld [tilespmem:s10+$0x410];
	v9 =	vmul.u32 $0x2710, v9  }
0xb8: {  	v15 =	vld [tilespmem:s12+$0x0];
	v10 =	vadd.s32 v10, v11;
	v11 =	vmul.u32 $0x2710, v12  }
0xb9: {  	[tilespmem:s1+$0xFFFFFF68] =	vst v10;
	v10 =	vld [tilespmem:s10+$0x8410];
	v9 =	vadd.s32 v13, v9  }
0xba: {  	v12 =	vld [tilespmem:s15+$0x8040];
	[tilespmem:s18+$0x30] =	vst v9;
	v8 =	vadd.s32 v8, v11  }
0xbb: {  	v9 =	vld [tilespmem:s16+$0x40];
	[tilespmem:s17+$0x90] =	vst v8  }
0xbc: {  	v7 =	vmul.u32 $0x2710, v7;
	v8 =	vld [tilespmem:s11+$0x420]  }
0xbd: {  	v11 =	vld [tilespmem:s16+$0x8040]  }
0xbe: {  	v7 =	vadd.s32 v10, v7;
	v10 =	vld [tilespmem:s11+$0x8420]  }
0xbf: {  	v13 =	vld [tilespmem:s15+$0x40];
	[tilespmem:s19+$0xFFFFFFC8] =	vst v7  }
0xc0: {  	v7 =	vld [tilespmem:s10+$0x8420];
	v9 =	vmul.u32 $0x2710, v9  }
0xc1: {  	v16 =	vld [tilespmem:s10+$0x420];
	v8 =	vmul.u32 $0x2710, v8  }
0xc2: {  	v9 =	vadd.s32 v11, v9;
	v11 =	vld [tilespmem:s9+$0x8430]  }
0xc3: {  	[tilespmem:s18+$0x40] =	vst v9;
	v9 =	vld [tilespmem:s9+$0x430];
	v8 =	vadd.s32 v10, v8;
	s9 =	smov.u32 s8;
	s8 =	smov.u32 s10;
	s10 =	smov.u32 s15  }
0xc4: {  	v10 =	vmul.u32 $0x2710, v15;
	s15 =	smov.u32 s12;
	v15 =	vld [tilespmem:s16+$0x50];
	[tilespmem:s17+$0xA0] =	vst v8  }
0xc5: {  	v8 =	vmul.u32 $0x2710, v13;
	v13 =	vld [tilespmem:s11+$0x430]  }
0xc6: {  	s1 =	sadd.s32 $0x190, s1;
	v10 =	vadd.s32 v14, v10;
	v14 =	vld [tilespmem:s16+$0x8050]  }
0xc7: {  	v8 =	vadd.s32 v12, v8;
	[tilespmem:s1+$0xFFFFFF38] =	vst v10;
	v10 =	vmul.u32 $0x2710, v16;
	v12 =	vld [tilespmem:s11+$0x8430]  }
0xc8: {  	v16 =	vld [tilespmem:s15+$0x8010];
	[tilespmem:s31+$0xFFFFFF78] =	vst v8;
	v8 =	vmul.u32 $0x2710, v9;
	v9 =	vmul.u32 $0x2710, v2;
	v2 =	vmov v4  }
0xc9: {  	v4 =	vld [tilespmem:s10+$0x8050];
	v7 =	vadd.s32 v7, v10;
	v10 =	vmul.u32 $0x2710, v15  }
0xca: {  	v15 =	vld [tilespmem:s10+$0x50];
	[tilespmem:s19+$0xFFFFFFD8] =	vst v7;
	v7 =	vadd.s32 v8, v11;
	v8 =	vadd.s32 v9, v1;
	v9 =	vmul.u32 $0x2710, v13;
	v1 =	vmovc v3  }
0xcb: {  	v3 =	vld [tilespmem:s8+$0x8430];
	v10 =	vadd.s32 v14, v10;
	v7 =	vperm.xlane v7, v0;
	v8 =	vperm.xlane v8, v0  }
0xcc: {  	v11 =	vld [tilespmem:s8+$0x430];
	[tilespmem:s18+$0x50] =	vst v10;
	v9 =	vadd.s32 v12, v9  }
0xcd: {  	v10 =	vld [tilespmem:s16+$0x60];
	v7 =	vsel vm0, v7, v8;
	[tilespmem:s17+$0xB0] =	vst v9  }
0xce: {  	s12 =	sor.u32 $0x440, s11;
	[tilespmem:s17+$0xFFFFFFF0] =	vst v7;
	v7 =	vld [tilespmem:s11+$0x430]  }
0xcf: {  	v8 =	vld.msk [tilespmem:s12+$0x0], $0xff  }
0xd0: {  	v9 =	vmul.u32 $0x2710, v15;
	s12 =	sor.u32 $0x8440, s11;
	v12 =	vld [tilespmem:s11+$0x8430];
	s11 =	smov.u32 s16;
	s16 =	smov.u32 s0  }
0xd1: {  	v13 =	vld.msk [tilespmem:s12+$0x0], $0xff  }
0xd2: {  	v4 =	vadd.s32 v4, v9;
	v9 =	vmul.u32 $0x2710, v11;
	v11 =	vld [tilespmem:s11+$0x8060]  }
0xd3: {  	v6 =	vmul.u32 $0x2710, v6;
	v14 =	vld [tilespmem:s15+$0x10];
	[tilespmem:s31+$0xFFFFFF88] =	vst v4  }
0xd4: {  	v3 =	vadd.s32 v3, v9;
	v7 =	vmul.u32 $0x2710, v7;
	v15 =	vld [tilespmem:s10+$0x60];
	v8 =	vmul.u32 $0x2710, v8  }
0xd5: {  	s0 =	sor.u32 $0x440, s8;
	v10 =	vmul.u32 $0x2710, v10;
	v9 =	vld [tilespmem:s10+$0x8060];
	[tilespmem:s19+$0xFFFFFFE8] =	vst v3  }
0xd6: {  	v5 =	vadd.s32 v5, v6;
	v6 =	vadd.s32 v7, v12;
	v4 =	vld.msk [tilespmem:s0+$0x0], $0xff;
	s0 =	sor.u32 $0x8440, s8;
	v7 =	vadd.s32 v8, v13  }
0xd7: {  	v6 =	vperm.xlane v6, v0;
	v3 =	vld.msk [tilespmem:s0+$0x0], $0xff;
	[tilespmem:s19+$0x0] =	vst v5;
	v5 =	vadd.s32 v11, v10;
	v7 =	vperm.xlane v7, v0  }
0xd8: {  	v8 =	vld [tilespmem:s16+$0x10];
	[tilespmem:s18+$0x60] =	vst v5  }
0xd9: {  	v5 =	vmul.u32 $0x2710, v15;
	v10 =	vld [tilespmem:s11+$0x70];
	v6 =	vsel vm0, v6, v7  }
0xda: {  	s0 =	sand.u32 $0x380, s28;
	v7 =	vmul.u32 $0x2710, v14;
	v11 =	vld [tilespmem:s16+$0x8010];
	[tilespmem:s17+$0xB8] =	vst v6;
	s17 =	smov.u32 s18;
	s18 =	smov.u32 s19  }
0xdb: {  	s0 =	sor.u32 s13, s0;
	s13 =	smov.u32 s30;
	s19 =	smov.u32 s31;
	v5 =	vadd.s32 v9, v5;
	v6 =	vld [tilespmem:s11+$0x8070]  }
0xdc: {  	s29 =	sadd.s32 $0x2, s29;
	s28 =	smov.u32 s7;
	s31 =	smov.u32 s1;
	v7 =	vadd.s32 v16, v7;
	[tilespmem:s19+$0xFFFFFF98] =	vst v5;
	v5 =	vld [tilespmem:s0+$0x8000]  }
0xdd: {  	p0 =	slt.u32 s29, $0x3E;
	[tilespmem:s1+$0xFFFFFF48] =	vst v7;
	v7 =	vld [tilespmem:s10+$0x70];
	v8 =	vmul.u32 $0x2710, v8  }
0xde: {  	v9 =	vld [tilespmem:s15+$0x20];
	v10 =	vmul.u32 $0x2710, v10  }
0xdf: {  	v12 =	vld [tilespmem:s10+$0x8070];
	v8 =	vadd.s32 v11, v8  }
0xe0: {  	v11 =	vld [tilespmem:s15+$0x8020];
	[tilespmem:s18+$0x10] =	vst v8;
	v6 =	vadd.s32 v6, v10  }
0xe1: {  	v10 =	vld [tilespmem:s16+$0x20];
	[tilespmem:s17+$0x70] =	vst v6  }
0xe2: {  	v6 =	vmul.u32 $0x2710, v7;
	v7 =	vld [tilespmem:s11+$0x400]  }
0xe3: {  	v8 =	vmul.u32 $0x2710, v9;
	v9 =	vld [tilespmem:s16+$0x8020]  }
0xe4: {  	v6 =	vadd.s32 v12, v6;
	v12 =	vld [tilespmem:s11+$0x8400]  }
0xe5: {  	v8 =	vadd.s32 v11, v8;
	[tilespmem:s19+$0xFFFFFFA8] =	vst v6;
	v6 =	vld [tilespmem:s0+$0x0]  }
.Ltmp0:
0xe6: {  	[tilespmem:s1+$0xFFFFFF58] =	vst v8;
	v8 =	vld [tilespmem:s10+$0x400];
	v11 =	vmul.u32 $0x2710, v10;
	(pc) =	sbr.rel @p0 .LBB2_3-.Ltmp0, $4  }
0xe7: {  	v10 =	vld [tilespmem:s15+$0x8030];
	v13 =	vmul.u32 $0x2710, v7  }
0xe8: {  	v7 =	vld [tilespmem:s10+$0x8400];
	v9 =	vadd.s32 v9, v11  }
0xe9: {  	s12 =	sand.u32 $0x3FF8, s22;
	s22 =	smov.u32 s2;
	v11 =	vld [tilespmem:s15+$0x30];
	[tilespmem:s18+$0x20] =	vst v9;
	v12 =	vadd.s32 v12, v13  }
0xea: {  	s7 =	sadd.s32 $0x100, s7;
	v9 =	vld [tilespmem:s16+$0x30];
	[tilespmem:s12+$0x10080] =	vst v12  }
0xeb: {  	_ =	sdelay $0x2  }
0xec: {  	v11 =	vmul.u32 $0x2710, v11;
	_ =	sdelay $0x1  }
0xed: {  	v10 =	vadd.s32 v10, v11  }
0xee: {  	[tilespmem:s1+$0xFFFFFF68] =	vst v10  }
0xef: {  	v10 =	vld [tilespmem:s15+$0x40];
	_ =	sdelay $0x1  }
0xf0: {  	v24 =	vld [tilespmem:s15+$0x8040];
	_ =	sdelay $0x2  }
0xf1: {  	v10 =	vmul.u32 $0x2710, v10;
	_ =	sdelay $0x1  }
0xf2: {  	v10 =	vadd.s32 v24, v10  }
0xf3: {  	[tilespmem:s31+$0xFFFFFF78] =	vst v10  }
0xf4: {  	v10 =	vld [tilespmem:s15+$0x50];
	_ =	sdelay $0x1  }
0xf5: {  	v25 =	vld [tilespmem:s15+$0x8050];
	_ =	sdelay $0x2  }
0xf6: {  	v10 =	vmul.u32 $0x2710, v10;
	_ =	sdelay $0x1  }
0xf7: {  	v10 =	vadd.s32 v25, v10  }
0xf8: {  	[tilespmem:s31+$0xFFFFFF88] =	vst v10  }
0xf9: {  	v10 =	vld [tilespmem:s15+$0x60];
	_ =	sdelay $0x1  }
0xfa: {  	v26 =	vld [tilespmem:s15+$0x8060];
	_ =	sdelay $0x2  }
0xfb: {  	v10 =	vmul.u32 $0x2710, v10;
	_ =	sdelay $0x1  }
0xfc: {  	v10 =	vadd.s32 v26, v10  }
0xfd: {  	[tilespmem:s31+$0xFFFFFF98] =	vst v10  }
0xfe: {  	v10 =	vld [tilespmem:s15+$0x70];
	_ =	sdelay $0x1  }
0xff: {  	v27 =	vld [tilespmem:s15+$0x8070]  }
0x100: {  	v8 =	vmul.u32 $0x2710, v8;
	s7 =	sadd.s32 $0x190, s2  }
0x101: {  	s12 =	sadd.s32 $0xFFFFFF38, s7  }
0x102: {  	v7 =	vadd.s32 v7, v8;
	s1 =	sand.u32 $0x3FF0, s12;
	v10 =	vmul.u32 $0x2710, v10  }
0x103: {  	[tilespmem:s1+$0x10080] =	vst v7  }
0x104: {  	v29 =	vld [tilespmem:s10+$0x410];
	v10 =	vadd.s32 v27, v10  }
0x105: {  	v30 =	vld [tilespmem:s10+$0x8410];
	[tilespmem:s31+$0xFFFFFFA8] =	vst v10  }
0x106: {  	v28 =	vld [tilespmem:s15+$0x400];
	_ =	sdelay $0x1  }
0x107: {  	v10 =	vld [tilespmem:s15+$0x8400]  }
0x108: {  	v8 =	vmul.u32 $0x2710, v29;
	_ =	sdelay $0x1  }
0x109: {  	s2 =	sadd.s32 $0x190, s7;
	v8 =	vadd.s32 v30, v8;
	v7 =	vmul.u32 $0x2710, v28  }
0x10a: {  	s14 =	sadd.s32 $0xFFFFFF38, s2;
	[tilespmem:s19+$0xFFFFFFC8] =	vst v8  }
0x10b: {  	s1 =	sand.u32 $0x3FF0, s14;
	v8 =	vld [tilespmem:s10+$0x420];
	v7 =	vadd.s32 v10, v7  }
0x10c: {  	v32 =	vld [tilespmem:s10+$0x8420];
	[tilespmem:s1+$0x10080] =	vst v7  }
0x10d: {  	v7 =	vld [tilespmem:s15+$0x410];
	_ =	sdelay $0x1  }
0x10e: {  	v31 =	vld [tilespmem:s15+$0x8410]  }
0x10f: {  	v8 =	vmul.u32 $0x2710, v8;
	_ =	sdelay $0x1  }
0x110: {  	v8 =	vadd.s32 v32, v8;
	v7 =	vmul.u32 $0x2710, v7  }
0x111: {  	[tilespmem:s19+$0xFFFFFFD8] =	vst v8  }
0x112: {  	v8 =	vld [tilespmem:s10+$0x430];
	v7 =	vadd.s32 v31, v7  }
0x113: {  	v34 =	vld [tilespmem:s10+$0x8430];
	[tilespmem:s31+$0xFFFFFFC8] =	vst v7  }
0x114: {  	v7 =	vld [tilespmem:s15+$0x420];
	_ =	sdelay $0x1  }
0x115: {  	v33 =	vld [tilespmem:s15+$0x8420]  }
0x116: {  	v8 =	vmul.u32 $0x2710, v8;
	_ =	sdelay $0x1  }
0x117: {  	v8 =	vadd.s32 v34, v8;
	v7 =	vmul.u32 $0x2710, v7  }
0x118: {  	s12 =	sor.u32 $0x8440, s10;
	[tilespmem:s19+$0xFFFFFFE8] =	vst v8  }
0x119: {  	s26 =	sor.u32 $0x440, s10;
	v37 =	vmul.u32 $0x2710, v6;
	v6 =	vld.msk [tilespmem:s12+$0x0], $0xff;
	v7 =	vadd.s32 v33, v7  }
0x11a: {  	[tilespmem:s31+$0xFFFFFFD8] =	vst v7;
	v7 =	vld.msk [tilespmem:s26+$0x0], $0xff  }
0x11b: {  	v5 =	vadd.s32 v5, v37;
	v35 =	vld [tilespmem:s15+$0x430]  }
0x11c: {  	s28 =	sand.u32 $0x380, s28;
	[tilespmem:s19+$0x0] =	vst v5;
	v36 =	vld [tilespmem:s15+$0x8430]  }
0x11d: {  	s1 =	sor.u32 s13, s28;
	v13 =	vld [tilespmem:s0+$0x10]  }
0x11e: {  	v12 =	vld [tilespmem:s1+$0x0]  }
0x11f: {  	v40 =	vld [tilespmem:s0+$0x8010]  }
0x120: {  	v38 =	vld [tilespmem:s1+$0x8000];
	v8 =	vmul.u32 $0x2710, v35;
	_ =	sdelay $0x1  }
0x121: {  	v41 =	vmul.u32 $0x2710, v13;
	v39 =	vadd.s32 v36, v8  }
0x122: {  	s29 =	sor.u32 $0x440, s15;
	v14 =	vld [tilespmem:s16+$0x8030];
	v12 =	vmul.u32 $0x2710, v12;
	[tilespmem:s31+$0xFFFFFFE8] =	vst v39  }
0x123: {  	s30 =	sor.u32 $0x8440, s15;
	v10 =	vadd.s32 v40, v41;
	v8 =	vld.msk [tilespmem:s29+$0x0], $0xff  }
0x124: {  	v11 =	vadd.s32 v38, v12;
	[tilespmem:s19+$0x10] =	vst v10;
	v5 =	vld.msk [tilespmem:s30+$0x0], $0xff  }
0x125: {  	[tilespmem:s31+$0x0] =	vst v11;
	v10 =	vld [tilespmem:s0+$0x20]  }
0x126: {  	v11 =	vld [tilespmem:s1+$0x10]  }
0x127: {  	v9 =	vmul.u32 $0x2710, v9;
	v43 =	vld [tilespmem:s0+$0x8020]  }
0x128: {  	v42 =	vld [tilespmem:s1+$0x8010]  }
0x129: {  	v9 =	vadd.s32 v14, v9  }
0x12a: {  	[tilespmem:s18+$0x30] =	vst v9;
	v10 =	vmul.u32 $0x2710, v10  }
0x12b: {  	v45 =	vld [tilespmem:s16+$0x40];
	v11 =	vmul.u32 $0x2710, v11  }
0x12c: {  	v10 =	vadd.s32 v43, v10  }
0x12d: {  	v47 =	vld [tilespmem:s16+$0x8040];
	v11 =	vadd.s32 v42, v11;
	[tilespmem:s19+$0x20] =	vst v10  }
0x12e: {  	[tilespmem:s31+$0x10] =	vst v11;
	v10 =	vld [tilespmem:s0+$0x30]  }
0x12f: {  	v44 =	vld [tilespmem:s1+$0x20]  }
0x130: {  	v11 =	vmul.u32 $0x2710, v45;
	v48 =	vld [tilespmem:s0+$0x8030]  }
0x131: {  	v46 =	vld [tilespmem:s1+$0x8020]  }
0x132: {  	v11 =	vadd.s32 v47, v11  }
0x133: {  	[tilespmem:s18+$0x40] =	vst v11;
	v10 =	vmul.u32 $0x2710, v10  }
0x134: {  	v11 =	vld [tilespmem:s16+$0x50];
	v9 =	vmul.u32 $0x2710, v44  }
0x135: {  	v10 =	vadd.s32 v48, v10  }
0x136: {  	v50 =	vld [tilespmem:s16+$0x8050];
	v9 =	vadd.s32 v46, v9;
	[tilespmem:s19+$0x30] =	vst v10  }
0x137: {  	[tilespmem:s31+$0x20] =	vst v9;
	v10 =	vld [tilespmem:s0+$0x40]  }
0x138: {  	v9 =	vld [tilespmem:s1+$0x30]  }
0x139: {  	v11 =	vmul.u32 $0x2710, v11;
	v51 =	vld [tilespmem:s0+$0x8040]  }
0x13a: {  	v49 =	vld [tilespmem:s1+$0x8030]  }
0x13b: {  	v11 =	vadd.s32 v50, v11  }
0x13c: {  	[tilespmem:s18+$0x50] =	vst v11;
	v10 =	vmul.u32 $0x2710, v10  }
0x13d: {  	v11 =	vld [tilespmem:s16+$0x60];
	v9 =	vmul.u32 $0x2710, v9  }
0x13e: {  	v10 =	vadd.s32 v51, v10  }
0x13f: {  	v53 =	vld [tilespmem:s16+$0x8060];
	v9 =	vadd.s32 v49, v9;
	[tilespmem:s19+$0x40] =	vst v10  }
0x140: {  	[tilespmem:s31+$0x30] =	vst v9;
	v10 =	vld [tilespmem:s0+$0x50]  }
0x141: {  	v9 =	vld [tilespmem:s1+$0x40]  }
0x142: {  	v11 =	vmul.u32 $0x2710, v11;
	v15 =	vld [tilespmem:s0+$0x8050]  }
0x143: {  	v52 =	vld [tilespmem:s1+$0x8040]  }
0x144: {  	v11 =	vadd.s32 v53, v11  }
0x145: {  	[tilespmem:s18+$0x60] =	vst v11;
	v10 =	vmul.u32 $0x2710, v10  }
0x146: {  	v11 =	vld [tilespmem:s16+$0x70];
	v9 =	vmul.u32 $0x2710, v9  }
0x147: {  	v10 =	vadd.s32 v15, v10  }
0x148: {  	v16 =	vld [tilespmem:s16+$0x8070];
	v9 =	vadd.s32 v52, v9;
	[tilespmem:s19+$0x50] =	vst v10  }
0x149: {  	[tilespmem:s31+$0x40] =	vst v9;
	v10 =	vld [tilespmem:s0+$0x60]  }
0x14a: {  	v9 =	vld [tilespmem:s1+$0x50]  }
0x14b: {  	v11 =	vmul.u32 $0x2710, v11;
	v57 =	vld [tilespmem:s0+$0x8060]  }
0x14c: {  	v56 =	vld [tilespmem:s1+$0x8050]  }
0x14d: {  	v54 =	vld [tilespmem:s11+$0x410];
	v11 =	vadd.s32 v16, v11  }
0x14e: {  	v55 =	vld [tilespmem:s11+$0x8410];
	[tilespmem:s18+$0x70] =	vst v11;
	v10 =	vmul.u32 $0x2710, v10  }
0x14f: {  	v11 =	vld [tilespmem:s16+$0x400];
	v9 =	vmul.u32 $0x2710, v9  }
0x150: {  	v62 =	vld [tilespmem:s9+$0x8430];
	v10 =	vadd.s32 v57, v10  }
0x151: {  	v60 =	vld [tilespmem:s16+$0x8400];
	v9 =	vadd.s32 v56, v9;
	[tilespmem:s19+$0x60] =	vst v10  }
0x152: {  	[tilespmem:s31+$0x50] =	vst v9;
	v10 =	vld [tilespmem:s0+$0x70]  }
0x153: {  	v12 =	vmul.u32 $0x2710, v54;
	v9 =	vld [tilespmem:s1+$0x60]  }
0x154: {  	v11 =	vmul.u32 $0x2710, v11;
	v17 =	vld [tilespmem:s0+$0x8070]  }
0x155: {  	v12 =	vadd.s32 v55, v12;
	v59 =	vld [tilespmem:s1+$0x8060]  }
0x156: {  	v63 =	vld [tilespmem:s9+$0x430];
	s12 =	sand.u32 $0x3FF8, s22;
	[tilespmem:s17+$0x90] =	vst v12;
	v11 =	vadd.s32 v60, v11  }
0x157: {  	v58 =	vld [tilespmem:s11+$0x420];
	[tilespmem:s12+$0x10080] =	vst v11;
	v10 =	vmul.u32 $0x2710, v10  }
0x158: {  	v22 =	vld [tilespmem:s16+$0x410];
	v9 =	vmul.u32 $0x2710, v9  }
0x159: {  	v61 =	vld [tilespmem:s11+$0x8420];
	v10 =	vadd.s32 v17, v10  }
0x15a: {  	v24 =	vld [tilespmem:s16+$0x8410];
	v9 =	vadd.s32 v59, v9;
	[tilespmem:s19+$0x70] =	vst v10  }
0x15b: {  	[tilespmem:s31+$0x60] =	vst v9;
	v10 =	vld [tilespmem:s0+$0x400]  }
0x15c: {  	v2 =	vmul.u32 $0x2710, v2;
	v14 =	vmul.u32 $0x2710, v63;
	v20 =	vmul.u32 $0x2710, v58;
	v21 =	vld [tilespmem:s1+$0x70]  }
0x15d: {  	v13 =	vmul.u32 $0x2710, v22;
	v27 =	vld [tilespmem:s0+$0x8400]  }
0x15e: {  	v1 =	vadd.s32 v2, v1;
	v30 =	vadd.s32 v14, v62;
	v9 =	vadd.s32 v61, v20;
	v23 =	vld [tilespmem:s1+$0x8070]  }
0x15f: {  	v1 =	vperm.xlane v1, v0;
	[tilespmem:s17+$0xA0] =	vst v9;
	v9 =	vadd.s32 v24, v13;
	v13 =	vperm.xlane v30, v0  }
0x160: {  	v10 =	vmul.u32 $0x2710, v10  }
0x161: {  	[tilespmem:s18+$0x90] =	vst v9;
	v1 =	vsel vm0, v13, v1;
	v11 =	vmul.u32 $0x2710, v21  }
0x162: {  	s7 =	sand.u32 $0x3FF8, s7;
	[tilespmem:s17+$0xFFFFFFF0] =	vst v1;
	v10 =	vadd.s32 v27, v10  }
0x163: {  	v2 =	vld [tilespmem:s16+$0x420];
	v11 =	vadd.s32 v23, v11;
	[tilespmem:s7+$0x10080] =	vst v10  }
0x164: {  	[tilespmem:s31+$0x70] =	vst v11;
	v1 =	vld [tilespmem:s0+$0x410]  }
0x165: {  	v29 =	vld [tilespmem:s1+$0x400]  }
0x166: {  	v35 =	vld [tilespmem:s0+$0x8410]  }
0x167: {  	v31 =	vld [tilespmem:s1+$0x8400]  }
0x168: {  	v32 =	vld [tilespmem:s16+$0x8420]  }
0x169: {  	v1 =	vmul.u32 $0x2710, v1  }
0x16a: {  	v41 =	vld [tilespmem:s8+$0x430];
	v9 =	vmul.u32 $0x2710, v29  }
0x16b: {  	v43 =	vld [tilespmem:s8+$0x8430];
	v2 =	vmul.u32 $0x2710, v2;
	v1 =	vadd.s32 v35, v1  }
0x16c: {  	s2 =	sand.u32 $0x3FF8, s2;
	v45 =	vld [tilespmem:s10+$0x430];
	v9 =	vadd.s32 v31, v9;
	[tilespmem:s19+$0x90] =	vst v1  }
0x16d: {  	v2 =	vadd.s32 v32, v2;
	[tilespmem:s2+$0x10080] =	vst v9;
	v1 =	vld [tilespmem:s0+$0x420]  }
0x16e: {  	[tilespmem:s18+$0xA0] =	vst v2;
	v2 =	vld [tilespmem:s1+$0x410]  }
0x16f: {  	v42 =	vld [tilespmem:s0+$0x8420]  }
0x170: {  	v38 =	vld [tilespmem:s1+$0x8410]  }
0x171: {  	v25 =	vld [tilespmem:s11+$0x430]  }
0x172: {  	v26 =	vld [tilespmem:s11+$0x8430];
	v1 =	vmul.u32 $0x2710, v1  }
0x173: {  	v37 =	vld [tilespmem:s16+$0x430];
	v2 =	vmul.u32 $0x2710, v2  }
0x174: {  	v39 =	vld [tilespmem:s16+$0x8430];
	v1 =	vadd.s32 v42, v1  }
0x175: {  	v2 =	vadd.s32 v38, v2;
	[tilespmem:s19+$0xA0] =	vst v1;
	v1 =	vld [tilespmem:s10+$0x8430]  }
0x176: {  	[tilespmem:s31+$0x90] =	vst v2;
	v46 =	vld [tilespmem:s0+$0x430]  }
0x177: {  	v4 =	vmul.u32 $0x2710, v4;
	v28 =	vmul.u32 $0x2710, v25;
	v2 =	vld [tilespmem:s1+$0x420]  }
0x178: {  	v7 =	vmul.u32 $0x2710, v7;
	v47 =	vld [tilespmem:s0+$0x8430]  }
0x179: {  	v3 =	vadd.s32 v4, v3;
	v11 =	vadd.s32 v26, v28;
	v44 =	vld [tilespmem:s1+$0x8420]  }
0x17a: {  	v6 =	vadd.s32 v7, v6;
	v48 =	vld [tilespmem:s15+$0x430];
	v49 =	vmul.u32 $0x2710, v45;
	[tilespmem:s17+$0xB0] =	vst v11;
	v9 =	vmul.u32 $0x2710, v37  }
0x17b: {  	s13 =	sor.u32 $0x440, s11;
	v6 =	vperm.xlane v6, v0;
	v16 =	vmul.u32 $0x2710, v41;
	v33 =	vld [tilespmem:s11+$0x430];
	v4 =	vmul.u32 $0x2710, v46  }
0x17c: {  	s14 =	sor.u32 $0x8440, s11;
	v34 =	vld.msk [tilespmem:s13+$0x0], $0xff;
	v9 =	vadd.s32 v39, v9;
	v1 =	vadd.s32 v49, v1;
	v2 =	vmul.u32 $0x2710, v2  }
0x17d: {  	v11 =	vadd.s32 v16, v43;
	v40 =	vld.msk [tilespmem:s14+$0x0], $0xff;
	[tilespmem:s18+$0xB0] =	vst v9;
	v1 =	vperm.xlane v1, v0;
	v4 =	vadd.s32 v47, v4  }
0x17e: {  	v3 =	vperm.xlane v3, v0;
	v11 =	vperm.xlane v11, v0;
	v9 =	vld [tilespmem:s16+$0x430];
	v2 =	vadd.s32 v44, v2;
	[tilespmem:s19+$0xB0] =	vst v4  }
0x17f: {  	v1 =	vsel vm0, v1, v6;
	[tilespmem:s31+$0xA0] =	vst v2;
	v2 =	vld [tilespmem:s15+$0x8430]  }
0x180: {  	v3 =	vsel vm0, v11, v3;
	[tilespmem:s19+$0xFFFFFFF0] =	vst v1;
	v1 =	vld [tilespmem:s0+$0x430]  }
0x181: {  	s26 =	sor.u32 $0x440, s0;
	[tilespmem:s18+$0xFFFFFFF0] =	vst v3;
	v3 =	vld [tilespmem:s1+$0x430]  }
0x182: {  	v54 =	vld.msk [tilespmem:s26+$0x0], $0xff  }
0x183: {  	v51 =	vld [tilespmem:s1+$0x8430]  }
0x184: {  	s28 =	sor.u32 $0x8440, s0;
	v8 =	vmul.u32 $0x2710, v8;
	v15 =	vmul.u32 $0x2710, v48;
	v55 =	vld [tilespmem:s0+$0x8430]  }
0x185: {  	s15 =	sor.u32 $0x440, s16;
	v57 =	vld.msk [tilespmem:s28+$0x0], $0xff  }
0x186: {  	v5 =	vadd.s32 v8, v5;
	v50 =	vld.msk [tilespmem:s15+$0x0], $0xff;
	v2 =	vadd.s32 v15, v2;
	v3 =	vmul.u32 $0x2710, v3  }
0x187: {  	v5 =	vperm.xlane v5, v0;
	v36 =	vld [tilespmem:s11+$0x8430];
	v2 =	vperm.xlane v2, v0  }
0x188: {  	s22 =	sor.u32 $0x8440, s16;
	v10 =	vmul.u32 $0x2710, v34;
	v52 =	vld [tilespmem:s16+$0x8430];
	v3 =	vadd.s32 v51, v3  }
0x189: {  	v53 =	vld.msk [tilespmem:s22+$0x0], $0xff;
	v1 =	vmul.u32 $0x2710, v1;
	v6 =	vmul.u32 $0x2710, v54;
	v2 =	vsel vm0, v2, v5;
	[tilespmem:s31+$0xB0] =	vst v3  }
0x18a: {  	s29 =	sor.u32 $0x440, s1;
	v56 =	vmul.u32 $0x2710, v33;
	v58 =	vadd.s32 v10, v40;
	v9 =	vmul.u32 $0x2710, v9;
	[tilespmem:s31+$0xFFFFFFF0] =	vst v2;
	v2 =	vld [tilespmem:s1+$0x430]  }
0x18b: {  	v11 =	vmul.u32 $0x2710, v50;
	v1 =	vadd.s32 v1, v55;
	v6 =	vadd.s32 v6, v57;
	v59 =	vld.msk [tilespmem:s29+$0x0], $0xff  }
0x18c: {  	s30 =	sor.u32 $0x8440, s1;
	v5 =	vperm.xlane v58, v0;
	v1 =	vperm.xlane v1, v0;
	v3 =	vadd.s32 v56, v36;
	v60 =	vld [tilespmem:s1+$0x8430]  }
0x18d: {  	v6 =	vperm.xlane v6, v0;
	v3 =	vperm.xlane v3, v0;
	v61 =	vld.msk [tilespmem:s30+$0x0], $0xff  }
0x18e: {  	v62 =	vadd.s32 v9, v52;
	v4 =	vadd.s32 v11, v53  }
0x18f: {  	v4 =	vperm.xlane v4, v0;
	v1 =	vsel vm0, v1, v6;
	v3 =	vsel vm0, v3, v5  }
0x190: {  	v5 =	vperm.xlane v62, v0;
	v2 =	vmul.u32 $0x2710, v2;
	v7 =	vmul.u32 $0x2710, v59  }
0x191: {  	[tilespmem:s19+$0xB8] =	vst v1  }
0x192: {  	p0 =	seq.s32 s3, $0x3;
	[tilespmem:s17+$0xB8] =	vst v3;
	v3 =	vsel vm0, v5, v4;
	v2 =	vadd.s32 v2, v60;
	v7 =	vadd.s32 v7, v61  }
0x193: {  	p1 =	seq.s32 @!p0 s3, $0x0;
	[tilespmem:s18+$0xB8] =	vst v3;
	v2 =	vperm.xlane v2, v0;
	v63 =	vperm.xlane v7, v0  }
0x194: {  	p1 =	por p0, !p1;
	s17 =	sshll.u32 s3, $0xC;
	s0 =	rddreg [dreg:$0x7]  }
.Ltmp1:
0x195: {  	s0 =	sadd.s32 @!p0 s17, s0;
	v1 =	vsel vm0, v2, v63;
	(pc) =	sbr.rel @!p1 .LBB2_5-.Ltmp1, $4  }
0x196: {  	s2 =	simm.s32 @!p0 $0x0;
	s1 =	sadd.s32 @!p0 s5, s0;
	[tilespmem:s31+$0xB8] =	vst v1  }
0x197: {  	[tilespmem:s2], [sflag:$0x1] =	stream.linear.gather @!p0 [hbm4b:s1+s2], $0x4000, $0x38;
	[tilespmem:$0x1C800] =	vst v63  }
0x198: {  	s0 =	sadd.s32 @!p0 s6, s0;
	s1 =	simm.s32 @!p0 $0x8000  }
0x199: {  	[tilespmem:s1], [sflag:$0x1] =	stream.linear.gather @!p0 [hbm4b:s0+s2], $0x4000, $0x38;
	[tilespmem:$0x1C800] =	vst v63  }
0x19a: {  	s29 =	simm.s32 $0x4  }
0x19b: {  	s0 =	sshll.u32 s3, $0x7;
	s1 =	rddreg [dreg:$0x8];
	_ =	swait.ge [sflag:s29], $0x3200  }
0x19c: {  	s0 =	sadd.s32 s0, s1;
	[sflag:s29] =	ssyncset.done $0x0  }
0x19d: {  	s0 =	smul.u32 $0x19, s0;
	[sflag:s29] =	ssyncadd.s32 $0xFFFFCE00  }
0x19e: {  	s30 =	simm.s32 $0x19600;
	s1 =	rddreg [dreg:$0x1]  }
.Ltmp2:
0x19f: {  	s31 =	simm.s32 $0x5;
	s0 =	sadd.s32 s1, s0;
	(pc) =	sbr.rel .LBB2_7-.Ltmp2, $4  }
0x1a0: {  	[hbm4b:s0+s21] =	stream.linear.scatter [tilespmem:s30], [sflag:$0x6], $0x3200, $0x38;
	[tilespmem:$0x1C800] =	vst v63  }
0x1a1: {  	_ =	swait.ge [sflag:s31], $0x3200  }
0x1a2: {  	[sflag:s31] =	ssyncset.done $0x0  }
0x1a3: {  	p1 =	por $0x0, $0x0;
	[sflag:s31] =	ssyncadd.s32 $0xFFFFCE00  }
.LBB2_5:
0x1a4: {  	p1 =	por @!p0 $0x1, $0x1  }
.LBB2_7:
0x1a5: {  	s0 =	simm.s32 $0x3200;
	s1 =	simm.s32 $0x10000;
	s2 =	simm.s32 $0x16400  }
0x1a6: {  	[tilespmem:s2], [sflag:$0x3] =	stream.indirect.gather [hbm4b:s4+s0], $0x1, s1, s0, $0xb8;
	[tilespmem:$0x1C800] =	vst v63  }
0x1a7: {  	_ =	swait.ge [sflag:s24], $0x4000  }
0x1a8: {  	[sflag:s24] =	ssyncset.done $0x0  }
0x1a9: {  	[sflag:s24] =	ssyncadd.s32 $0xFFFFC000  }
0x1aa: {  	s7 =	simm.s32 $0x0;
	s2 =	simm.s32 $0x0;
	_ =	swait.ge [sflag:s24], $0x4000  }
0x1ab: {  	s11 =	sand.u32 $0x300, s7;
	s8 =	sand.u32 $0x3800, s2;
	[sflag:s24] =	ssyncset.done $0x0  }
0x1ac: {  	s10 =	sor.u32 s11, s8;
	[sflag:s24] =	ssyncadd.s32 $0xFFFFC000  }
0x1ad: {  	v1 =	vld [tilespmem:s10+$0x4000];
	_ =	sdelay $0x1  }
0x1ae: {  	v2 =	vld [tilespmem:s10+$0xC000];
	_ =	sdelay $0x2  }
0x1af: {  	v1 =	vmul.u32 $0x2710, v1;
	_ =	sdelay $0x1  }
0x1b0: {  	s18 =	simm.s32 $0x132C8;
	v1 =	vadd.s32 v2, v1  }
0x1b1: {  	[tilespmem:s18+$0xFFFFFF38] =	vst v1  }
0x1b2: {  	v1 =	vld [tilespmem:s10+$0x4010];
	_ =	sdelay $0x1  }
0x1b3: {  	v2 =	vld [tilespmem:s10+$0xC010];
	_ =	sdelay $0x2  }
0x1b4: {  	v1 =	vmul.u32 $0x2710, v1;
	_ =	sdelay $0x1  }
0x1b5: {  	v1 =	vadd.s32 v2, v1  }
0x1b6: {  	[tilespmem:s18+$0xFFFFFF48] =	vst v1  }
0x1b7: {  	v1 =	vld [tilespmem:s10+$0x4020];
	_ =	sdelay $0x1  }
0x1b8: {  	v2 =	vld [tilespmem:s10+$0xC020];
	_ =	sdelay $0x2  }
0x1b9: {  	v1 =	vmul.u32 $0x2710, v1;
	_ =	sdelay $0x1  }
0x1ba: {  	v1 =	vadd.s32 v2, v1  }
0x1bb: {  	[tilespmem:s18+$0xFFFFFF58] =	vst v1  }
0x1bc: {  	v1 =	vld [tilespmem:s10+$0x4030];
	_ =	sdelay $0x1  }
0x1bd: {  	v2 =	vld [tilespmem:s10+$0xC030];
	_ =	sdelay $0x2  }
0x1be: {  	v1 =	vmul.u32 $0x2710, v1;
	_ =	sdelay $0x1  }
0x1bf: {  	v1 =	vadd.s32 v2, v1  }
0x1c0: {  	[tilespmem:s18+$0xFFFFFF68] =	vst v1  }
0x1c1: {  	v1 =	vld [tilespmem:s10+$0x4040];
	_ =	sdelay $0x1  }
0x1c2: {  	v2 =	vld [tilespmem:s10+$0xC040];
	_ =	sdelay $0x2  }
0x1c3: {  	v1 =	vmul.u32 $0x2710, v1;
	_ =	sdelay $0x1  }
0x1c4: {  	v1 =	vadd.s32 v2, v1  }
0x1c5: {  	[tilespmem:s18+$0xFFFFFF78] =	vst v1  }
0x1c6: {  	v1 =	vld [tilespmem:s10+$0x4050];
	_ =	sdelay $0x1  }
0x1c7: {  	v2 =	vld [tilespmem:s10+$0xC050];
	_ =	sdelay $0x1  }
0x1c8: {  	s12 =	simm.s32 $0x100;
	s13 =	simm.s32 $0x200  }
0x1c9: {  	s0 =	sand.u32 $0x3800, s13;
	s2 =	sand.u32 $0x300, s12;
	v1 =	vmul.u32 $0x2710, v1  }
0x1ca: {  	s9 =	sor.u32 s2, s0  }
0x1cb: {  	v3 =	vld [tilespmem:s9+$0x4000];
	v1 =	vadd.s32 v2, v1  }
0x1cc: {  	v2 =	vld [tilespmem:s9+$0xC000];
	[tilespmem:s18+$0xFFFFFF88] =	vst v1  }
0x1cd: {  	v1 =	vld [tilespmem:s10+$0x4060];
	_ =	sdelay $0x1  }
0x1ce: {  	v4 =	vld [tilespmem:s10+$0xC060]  }
0x1cf: {  	v3 =	vmul.u32 $0x2710, v3;
	_ =	sdelay $0x1  }
0x1d0: {  	s19 =	simm.s32 $0x13458;
	v2 =	vadd.s32 v2, v3;
	v1 =	vmul.u32 $0x2710, v1  }
0x1d1: {  	[tilespmem:s19+$0xFFFFFF38] =	vst v2  }
0x1d2: {  	v2 =	vld [tilespmem:s9+$0x4010];
	v1 =	vadd.s32 v4, v1  }
0x1d3: {  	v3 =	vld [tilespmem:s9+$0xC010];
	[tilespmem:s18+$0xFFFFFF98] =	vst v1  }
0x1d4: {  	v1 =	vld [tilespmem:s10+$0x4070];
	_ =	sdelay $0x1  }
0x1d5: {  	v4 =	vld [tilespmem:s10+$0xC070]  }
0x1d6: {  	v2 =	vmul.u32 $0x2710, v2;
	_ =	sdelay $0x1  }
0x1d7: {  	v2 =	vadd.s32 v3, v2;
	v1 =	vmul.u32 $0x2710, v1  }
0x1d8: {  	[tilespmem:s19+$0xFFFFFF48] =	vst v2  }
0x1d9: {  	v2 =	vld [tilespmem:s9+$0x4020];
	v1 =	vadd.s32 v4, v1  }
0x1da: {  	v3 =	vld [tilespmem:s9+$0xC020];
	[tilespmem:s18+$0xFFFFFFA8] =	vst v1  }
0x1db: {  	v1 =	vld [tilespmem:s10+$0x4400];
	_ =	sdelay $0x1  }
0x1dc: {  	v4 =	vld [tilespmem:s10+$0xC400]  }
0x1dd: {  	v2 =	vmul.u32 $0x2710, v2;
	_ =	sdelay $0x1  }
0x1de: {  	v2 =	vadd.s32 v3, v2;
	v1 =	vmul.u32 $0x2710, v1  }
0x1df: {  	s14 =	simm.s32 $0x0;
	[tilespmem:s19+$0xFFFFFF58] =	vst v2  }
0x1e0: {  	s2 =	sand.u32 $0x3FF0, s14;
	v2 =	vld [tilespmem:s9+$0x4030];
	v1 =	vadd.s32 v4, v1  }
0x1e1: {  	v3 =	vld [tilespmem:s9+$0xC030];
	[tilespmem:s2+$0x13280] =	vst v1  }
0x1e2: {  	v1 =	vld [tilespmem:s10+$0x4410];
	_ =	sdelay $0x1  }
0x1e3: {  	v4 =	vld [tilespmem:s10+$0xC410]  }
0x1e4: {  	v2 =	vmul.u32 $0x2710, v2;
	_ =	sdelay $0x1  }
0x1e5: {  	v2 =	vadd.s32 v3, v2;
	v1 =	vmul.u32 $0x2710, v1  }
0x1e6: {  	[tilespmem:s19+$0xFFFFFF68] =	vst v2  }
0x1e7: {  	v2 =	vld [tilespmem:s9+$0x4040];
	v1 =	vadd.s32 v4, v1  }
0x1e8: {  	v3 =	vld [tilespmem:s9+$0xC040];
	[tilespmem:s18+$0xFFFFFFC8] =	vst v1  }
0x1e9: {  	v1 =	vld [tilespmem:s10+$0x4420];
	_ =	sdelay $0x1  }
0x1ea: {  	v4 =	vld [tilespmem:s10+$0xC420]  }
0x1eb: {  	v2 =	vmul.u32 $0x2710, v2;
	_ =	sdelay $0x1  }
0x1ec: {  	v2 =	vadd.s32 v3, v2;
	v1 =	vmul.u32 $0x2710, v1  }
0x1ed: {  	[tilespmem:s19+$0xFFFFFF78] =	vst v2  }
0x1ee: {  	s15 =	simm.s32 $0x80;
	v2 =	vld [tilespmem:s9+$0x4050];
	v1 =	vadd.s32 v4, v1  }
0x1ef: {  	s2 =	sand.u32 $0x380, s15;
	v3 =	vld [tilespmem:s9+$0xC050];
	[tilespmem:s18+$0xFFFFFFD8] =	vst v1  }
0x1f0: {  	s15 =	sor.u32 s8, s2;
	v1 =	vld [tilespmem:s10+$0x4430]  }
0x1f1: {  	v5 =	vld [tilespmem:s15+$0x4000]  }
0x1f2: {  	s16 =	simm.s32 $0x200;
	s21 =	simm.s32 $0x400;
	v4 =	vld [tilespmem:s10+$0xC430]  }
0x1f3: {  	s1 =	sand.u32 $0x300, s16;
	s2 =	sand.u32 $0x3800, s21;
	v2 =	vmul.u32 $0x2710, v2  }
0x1f4: {  	v6 =	vld [tilespmem:s15+$0xC000];
	s11 =	sor.u32 s1, s2  }
0x1f5: {  	v2 =	vadd.s32 v3, v2;
	v3 =	vld [tilespmem:s11+$0x4000];
	v1 =	vmul.u32 $0x2710, v1  }
0x1f6: {  	v7 =	vld [tilespmem:s11+$0xC000];
	[tilespmem:s19+$0xFFFFFF88] =	vst v2  }
0x1f7: {  	v8 =	vld [tilespmem:s9+$0x4060];
	v1 =	vadd.s32 v4, v1;
	v4 =	vmul.u32 $0x2710, v5  }
0x1f8: {  	s22 =	sor.u32 $0x4440, s10;
	v5 =	vld [tilespmem:s9+$0xC060];
	[tilespmem:s18+$0xFFFFFFE8] =	vst v1  }
0x1f9: {  	s26 =	sor.u32 $0xC440, s10;
	v2 =	vld.msk [tilespmem:s22+$0x0], $0xff;
	v4 =	vadd.s32 v6, v4  }
0x1fa: {  	v3 =	vmul.u32 $0x2710, v3;
	v1 =	vld.msk [tilespmem:s26+$0x0], $0xff;
	[tilespmem:s18+$0x0] =	vst v4  }
0x1fb: {  	v4 =	vld [tilespmem:s15+$0x4010]  }
0x1fc: {  	s8 =	simm.s32 $0x135E8;
	v3 =	vadd.s32 v7, v3;
	v6 =	vmul.u32 $0x2710, v8  }
0x1fd: {  	[tilespmem:s8+$0xFFFFFF38] =	vst v3;
	v3 =	vld [tilespmem:s15+$0xC010]  }
0x1fe: {  	v7 =	vld [tilespmem:s11+$0x4010];
	v5 =	vadd.s32 v5, v6  }
0x1ff: {  	v6 =	vld [tilespmem:s11+$0xC010];
	[tilespmem:s19+$0xFFFFFF98] =	vst v5  }
0x200: {  	v5 =	vld [tilespmem:s9+$0x4070];
	v4 =	vmul.u32 $0x2710, v4;
	_ =	sdelay $0x1  }
0x201: {  	v8 =	vld [tilespmem:s9+$0xC070];
	v3 =	vadd.s32 v3, v4  }
0x202: {  	v4 =	vmul.u32 $0x2710, v7;
	[tilespmem:s18+$0x10] =	vst v3  }
0x203: {  	v3 =	vld [tilespmem:s15+$0x4020]  }
0x204: {  	v5 =	vmul.u32 $0x2710, v5;
	v4 =	vadd.s32 v6, v4  }
0x205: {  	[tilespmem:s8+$0xFFFFFF48] =	vst v4;
	v4 =	vld [tilespmem:s15+$0xC020]  }
0x206: {  	v5 =	vadd.s32 v8, v5;
	v6 =	vld [tilespmem:s11+$0x4020]  }
0x207: {  	v7 =	vld [tilespmem:s11+$0xC020];
	[tilespmem:s19+$0xFFFFFFA8] =	vst v5  }
0x208: {  	v5 =	vld [tilespmem:s9+$0x4400];
	v3 =	vmul.u32 $0x2710, v3;
	_ =	sdelay $0x1  }
0x209: {  	v8 =	vld [tilespmem:s9+$0xC400];
	v3 =	vadd.s32 v4, v3  }
0x20a: {  	v4 =	vmul.u32 $0x2710, v6;
	[tilespmem:s18+$0x20] =	vst v3  }
0x20b: {  	v3 =	vld [tilespmem:s15+$0x4030]  }
0x20c: {  	v5 =	vmul.u32 $0x2710, v5;
	v4 =	vadd.s32 v7, v4  }
0x20d: {  	s7 =	simm.s32 $0x190;
	[tilespmem:s8+$0xFFFFFF58] =	vst v4;
	v4 =	vld [tilespmem:s15+$0xC030]  }
0x20e: {  	s1 =	sand.u32 $0x3FF0, s7;
	v5 =	vadd.s32 v8, v5;
	v6 =	vld [tilespmem:s11+$0x4030]  }
0x20f: {  	v7 =	vld [tilespmem:s11+$0xC030];
	[tilespmem:s1+$0x13280] =	vst v5  }
0x210: {  	v5 =	vld [tilespmem:s9+$0x4410];
	v3 =	vmul.u32 $0x2710, v3;
	_ =	sdelay $0x1  }
0x211: {  	v8 =	vld [tilespmem:s9+$0xC410];
	v3 =	vadd.s32 v4, v3  }
0x212: {  	v4 =	vmul.u32 $0x2710, v6;
	[tilespmem:s18+$0x30] =	vst v3  }
0x213: {  	v3 =	vld [tilespmem:s15+$0x4040]  }
0x214: {  	v5 =	vmul.u32 $0x2710, v5;
	v4 =	vadd.s32 v7, v4  }
0x215: {  	[tilespmem:s8+$0xFFFFFF68] =	vst v4;
	v4 =	vld [tilespmem:s15+$0xC040]  }
0x216: {  	v5 =	vadd.s32 v8, v5;
	v6 =	vld [tilespmem:s11+$0x4040]  }
0x217: {  	v7 =	vld [tilespmem:s11+$0xC040];
	[tilespmem:s19+$0xFFFFFFC8] =	vst v5  }
0x218: {  	s7 =	simm.s32 $0x300;
	s1 =	simm.s32 $0x600;
	v5 =	vld [tilespmem:s9+$0x4420];
	v3 =	vmul.u32 $0x2710, v3  }
0x219: {  	s7 =	sand.u32 $0x300, s7;
	s13 =	sand.u32 $0x3800, s1  }
0x21a: {  	s31 =	sor.u32 s7, s13;
	v8 =	vld [tilespmem:s9+$0xC420];
	v3 =	vadd.s32 v4, v3  }
0x21b: {  	v9 =	vld [tilespmem:s31+$0x4000];
	[tilespmem:s18+$0x40] =	vst v3;
	v3 =	vmul.u32 $0x2710, v6  }
0x21c: {  	v6 =	vld [tilespmem:s15+$0x4050]  }
0x21d: {  	v4 =	vld [tilespmem:s31+$0xC000];
	v5 =	vmul.u32 $0x2710, v5;
	v3 =	vadd.s32 v7, v3  }
0x21e: {  	v7 =	vld [tilespmem:s15+$0xC050];
	[tilespmem:s8+$0xFFFFFF78] =	vst v3  }
0x21f: {  	s12 =	simm.s32 $0x180;
	v3 =	vadd.s32 v8, v5;
	v5 =	vld [tilespmem:s11+$0x4050]  }
0x220: {  	s7 =	sand.u32 $0x380, s12;
	v8 =	vld [tilespmem:s11+$0xC050];
	[tilespmem:s19+$0xFFFFFFD8] =	vst v3  }
0x221: {  	s16 =	sor.u32 s0, s7;
	v3 =	vmul.u32 $0x2710, v6;
	v6 =	vld [tilespmem:s9+$0x4430]  }
0x222: {  	v10 =	vld [tilespmem:s16+$0xC000]  }
0x223: {  	v9 =	vmul.u32 $0x2710, v9;
	v11 =	vld [tilespmem:s9+$0xC430];
	v3 =	vadd.s32 v7, v3  }
0x224: {  	v7 =	vld [tilespmem:s16+$0x4000];
	[tilespmem:s18+$0x50] =	vst v3;
	v3 =	vmul.u32 $0x2710, v5  }
0x225: {  	s28 =	simm.s32 $0x13778;
	v4 =	vadd.s32 v4, v9;
	v5 =	vld [tilespmem:s15+$0x4060]  }
0x226: {  	[tilespmem:s28+$0xFFFFFF38] =	vst v4;
	v3 =	vadd.s32 v8, v3;
	v4 =	vmul.u32 $0x2710, v6;
	v6 =	vld [tilespmem:s15+$0xC060]  }
0x227: {  	v8 =	vld [tilespmem:s31+$0x4010];
	[tilespmem:s8+$0xFFFFFF88] =	vst v3  }
0x228: {  	v9 =	vld [tilespmem:s11+$0x4060];
	v3 =	vadd.s32 v11, v4  }
0x229: {  	s14 =	sor.u32 $0x4440, s9;
	v7 =	vmul.u32 $0x2710, v7;
	v11 =	vld [tilespmem:s11+$0xC060];
	[tilespmem:s19+$0xFFFFFFE8] =	vst v3  }
0x22a: {  	s21 =	sor.u32 $0xC440, s9;
	v5 =	vmul.u32 $0x2710, v5;
	v4 =	vld.msk [tilespmem:s14+$0x0], $0xff  }
0x22b: {  	v7 =	vadd.s32 v10, v7;
	v3 =	vld.msk [tilespmem:s21+$0x0], $0xff  }
0x22c: {  	v10 =	vld [tilespmem:s31+$0xC010];
	[tilespmem:s19+$0x0] =	vst v7;
	v5 =	vadd.s32 v6, v5  }
0x22d: {  	v6 =	vld [tilespmem:s16+$0x4010];
	[tilespmem:s18+$0x60] =	vst v5  }
0x22e: {  	s22 =	simm.s32 $0x280;
	v5 =	vmul.u32 $0x2710, v9;
	v7 =	vld [tilespmem:s15+$0x4070]  }
0x22f: {  	s0 =	sand.u32 $0x380, s22;
	v8 =	vmul.u32 $0x2710, v8;
	v9 =	vld [tilespmem:s16+$0xC010]  }
0x230: {  	s22 =	sor.u32 s2, s0;
	v5 =	vadd.s32 v11, v5;
	v11 =	vld [tilespmem:s15+$0xC070]  }
0x231: {  	v8 =	vadd.s32 v10, v8;
	[tilespmem:s8+$0xFFFFFF98] =	vst v5;
	v5 =	vld [tilespmem:s22+$0xC000]  }
0x232: {  	[tilespmem:s28+$0xFFFFFF48] =	vst v8;
	v8 =	vld [tilespmem:s11+$0x4070];
	v6 =	vmul.u32 $0x2710, v6  }
0x233: {  	v10 =	vld [tilespmem:s31+$0x4020];
	v7 =	vmul.u32 $0x2710, v7  }
0x234: {  	v12 =	vld [tilespmem:s11+$0xC070];
	v6 =	vadd.s32 v9, v6  }
0x235: {  	v9 =	vld [tilespmem:s31+$0xC020];
	[tilespmem:s19+$0x10] =	vst v6;
	v6 =	vadd.s32 v11, v7  }
0x236: {  	v7 =	vld [tilespmem:s16+$0x4020];
	[tilespmem:s18+$0x70] =	vst v6  }
0x237: {  	v6 =	vmul.u32 $0x2710, v8;
	v11 =	vld [tilespmem:s15+$0x4400]  }
0x238: {  	v13 =	vld [tilespmem:s16+$0xC020];
	v8 =	vmul.u32 $0x2710, v10  }
0x239: {  	v63 =	vld [tilespmem:s15+$0xC400];
	v6 =	vadd.s32 v12, v6  }
0x23a: {  	v8 =	vadd.s32 v9, v8;
	[tilespmem:s8+$0xFFFFFFA8] =	vst v6;
	v6 =	vld [tilespmem:s22+$0x4000]  }
0x23b: {  	[tilespmem:s28+$0xFFFFFF58] =	vst v8;
	v8 =	vld [tilespmem:s11+$0x4400];
	v9 =	vmul.u32 $0x2710, v7  }
0x23c: {  	v10 =	vld [tilespmem:s31+$0xC030];
	v14 =	vmul.u32 $0x2710, v11  }
0x23d: {  	s29 =	simm.s32 $0x258;
	s26 =	simm.s32 $0xC8;
	v7 =	vld [tilespmem:s11+$0xC400];
	v9 =	vadd.s32 v13, v9  }
0x23e: {  	s30 =	simm.s32 $0x480;
	s7 =	simm.s32 $0x6;
	s0 =	sand.u32 $0x3FF8, s26;
	v11 =	vld [tilespmem:s31+$0x4030];
	[tilespmem:s19+$0x20] =	vst v9;
	v12 =	vadd.s32 v63, v14  }
0x23f: {  	s2 =	simm.s32 $0x380;
	s26 =	simm.s32 $0x258;
	v9 =	vld [tilespmem:s16+$0x4030];
	[tilespmem:s0+$0x13280] =	vst v12;
	s0 =	simm.s32 $0x13778  }
.LBB2_8:
0x240: {  	s14 =	sadd.s32 $0xFFFFFF80, s30;
	s1 =	sadd.s32 $0x200, s1;
	v8 =	vmul.u32 $0x2710, v8;
	s29 =	sadd.s32 $0x190, s29;
	v12 =	vld [tilespmem:s15+$0x4410]  }
0x241: {  	s12 =	sand.u32 $0x3800, s1;
	s14 =	sand.u32 $0x300, s14;
	s21 =	sadd.s32 $0xFFFFFF38, s29;
	v13 =	vld [tilespmem:s16+$0xC030]  }
0x242: {  	s14 =	sor.u32 s14, s12;
	v7 =	vadd.s32 v7, v8;
	s21 =	sand.u32 $0x3FF0, s21;
	v8 =	vld [tilespmem:s15+$0xC410]  }
0x243: {  	v14 =	vld [tilespmem:s14+$0xC000];
	v11 =	vmul.u32 $0x2710, v11;
	[tilespmem:s21+$0x13280] =	vst v7  }
0x244: {  	v7 =	vld [tilespmem:s11+$0x4410];
	v9 =	vmul.u32 $0x2710, v9  }
0x245: {  	v15 =	vld [tilespmem:s14+$0x4000];
	v10 =	vadd.s32 v10, v11;
	v11 =	vmul.u32 $0x2710, v12  }
0x246: {  	[tilespmem:s28+$0xFFFFFF68] =	vst v10;
	v10 =	vld [tilespmem:s11+$0xC410];
	v9 =	vadd.s32 v13, v9  }
0x247: {  	v12 =	vld [tilespmem:s31+$0xC040];
	[tilespmem:s19+$0x30] =	vst v9;
	v8 =	vadd.s32 v8, v11  }
0x248: {  	v9 =	vld [tilespmem:s16+$0x4040];
	[tilespmem:s18+$0x90] =	vst v8  }
0x249: {  	v7 =	vmul.u32 $0x2710, v7;
	v8 =	vld [tilespmem:s15+$0x4420]  }
0x24a: {  	v11 =	vld [tilespmem:s16+$0xC040]  }
0x24b: {  	v7 =	vadd.s32 v10, v7;
	v10 =	vld [tilespmem:s15+$0xC420]  }
0x24c: {  	v13 =	vld [tilespmem:s31+$0x4040];
	[tilespmem:s8+$0xFFFFFFC8] =	vst v7  }
0x24d: {  	v7 =	vld [tilespmem:s11+$0xC420];
	v9 =	vmul.u32 $0x2710, v9  }
0x24e: {  	v16 =	vld [tilespmem:s11+$0x4420];
	v8 =	vmul.u32 $0x2710, v8  }
0x24f: {  	v9 =	vadd.s32 v11, v9;
	v11 =	vld [tilespmem:s10+$0xC430]  }
0x250: {  	[tilespmem:s19+$0x40] =	vst v9;
	v9 =	vld [tilespmem:s10+$0x4430];
	v8 =	vadd.s32 v10, v8;
	s10 =	smov.u32 s9;
	s9 =	smov.u32 s11;
	s11 =	smov.u32 s31  }
0x251: {  	v10 =	vmul.u32 $0x2710, v15;
	s31 =	smov.u32 s14;
	v15 =	vld [tilespmem:s16+$0x4050];
	[tilespmem:s18+$0xA0] =	vst v8  }
0x252: {  	v8 =	vmul.u32 $0x2710, v13;
	v13 =	vld [tilespmem:s15+$0x4430]  }
0x253: {  	s28 =	sadd.s32 $0x190, s28;
	v10 =	vadd.s32 v14, v10;
	v14 =	vld [tilespmem:s16+$0xC050]  }
0x254: {  	v8 =	vadd.s32 v12, v8;
	[tilespmem:s28+$0xFFFFFF38] =	vst v10;
	v10 =	vmul.u32 $0x2710, v16;
	v12 =	vld [tilespmem:s15+$0xC430]  }
0x255: {  	v16 =	vld [tilespmem:s31+$0xC010];
	[tilespmem:s0+$0xFFFFFF78] =	vst v8;
	v8 =	vmul.u32 $0x2710, v9;
	v9 =	vmul.u32 $0x2710, v2;
	v2 =	vmov v4  }
0x256: {  	v4 =	vld [tilespmem:s11+$0xC050];
	v7 =	vadd.s32 v7, v10;
	v10 =	vmul.u32 $0x2710, v15  }
0x257: {  	v15 =	vld [tilespmem:s11+$0x4050];
	[tilespmem:s8+$0xFFFFFFD8] =	vst v7;
	v7 =	vadd.s32 v8, v11;
	v8 =	vadd.s32 v9, v1;
	v9 =	vmul.u32 $0x2710, v13;
	v1 =	vmovc v3  }
0x258: {  	v3 =	vld [tilespmem:s9+$0xC430];
	v10 =	vadd.s32 v14, v10;
	v7 =	vperm.xlane v7, v0;
	v8 =	vperm.xlane v8, v0  }
0x259: {  	v11 =	vld [tilespmem:s9+$0x4430];
	[tilespmem:s19+$0x50] =	vst v10;
	v9 =	vadd.s32 v12, v9  }
0x25a: {  	v10 =	vld [tilespmem:s16+$0x4060];
	v7 =	vsel vm0, v7, v8;
	[tilespmem:s18+$0xB0] =	vst v9  }
0x25b: {  	s14 =	sor.u32 $0x4440, s15;
	[tilespmem:s18+$0xFFFFFFF0] =	vst v7;
	v7 =	vld [tilespmem:s15+$0x4430]  }
0x25c: {  	v8 =	vld.msk [tilespmem:s14+$0x0], $0xff  }
0x25d: {  	v9 =	vmul.u32 $0x2710, v15;
	s14 =	sor.u32 $0xC440, s15;
	v12 =	vld [tilespmem:s15+$0xC430];
	s15 =	smov.u32 s16;
	s16 =	smov.u32 s22  }
0x25e: {  	v13 =	vld.msk [tilespmem:s14+$0x0], $0xff  }
0x25f: {  	v4 =	vadd.s32 v4, v9;
	v9 =	vmul.u32 $0x2710, v11;
	v11 =	vld [tilespmem:s15+$0xC060]  }
0x260: {  	v6 =	vmul.u32 $0x2710, v6;
	v14 =	vld [tilespmem:s31+$0x4010];
	[tilespmem:s0+$0xFFFFFF88] =	vst v4  }
0x261: {  	v3 =	vadd.s32 v3, v9;
	v7 =	vmul.u32 $0x2710, v7;
	v15 =	vld [tilespmem:s11+$0x4060];
	v8 =	vmul.u32 $0x2710, v8  }
0x262: {  	s14 =	sor.u32 $0x4440, s9;
	v10 =	vmul.u32 $0x2710, v10;
	v9 =	vld [tilespmem:s11+$0xC060];
	[tilespmem:s8+$0xFFFFFFE8] =	vst v3  }
0x263: {  	v5 =	vadd.s32 v5, v6;
	v6 =	vadd.s32 v7, v12;
	v4 =	vld.msk [tilespmem:s14+$0x0], $0xff;
	s14 =	sor.u32 $0xC440, s9;
	v7 =	vadd.s32 v8, v13  }
0x264: {  	v6 =	vperm.xlane v6, v0;
	v3 =	vld.msk [tilespmem:s14+$0x0], $0xff;
	[tilespmem:s8+$0x0] =	vst v5;
	v5 =	vadd.s32 v11, v10;
	v7 =	vperm.xlane v7, v0  }
0x265: {  	v8 =	vld [tilespmem:s16+$0x4010];
	[tilespmem:s19+$0x60] =	vst v5  }
0x266: {  	v5 =	vmul.u32 $0x2710, v15;
	v10 =	vld [tilespmem:s15+$0x4070];
	v6 =	vsel vm0, v6, v7  }
0x267: {  	s2 =	sand.u32 $0x380, s2;
	v7 =	vmul.u32 $0x2710, v14;
	v11 =	vld [tilespmem:s16+$0xC010];
	[tilespmem:s18+$0xB8] =	vst v6;
	s18 =	smov.u32 s19;
	s19 =	smov.u32 s8  }
0x268: {  	s22 =	sor.u32 s13, s2;
	s13 =	smov.u32 s12;
	s8 =	smov.u32 s0;
	v5 =	vadd.s32 v9, v5;
	v6 =	vld [tilespmem:s15+$0xC070]  }
0x269: {  	s7 =	sadd.s32 $0x2, s7;
	s2 =	smov.u32 s30;
	s0 =	smov.u32 s28;
	v7 =	vadd.s32 v16, v7;
	[tilespmem:s8+$0xFFFFFF98] =	vst v5;
	v5 =	vld [tilespmem:s22+$0xC000]  }
0x26a: {  	p2 =	slt.u32 s7, $0x3E;
	[tilespmem:s28+$0xFFFFFF48] =	vst v7;
	v7 =	vld [tilespmem:s11+$0x4070];
	v8 =	vmul.u32 $0x2710, v8  }
0x26b: {  	v9 =	vld [tilespmem:s31+$0x4020];
	v10 =	vmul.u32 $0x2710, v10  }
0x26c: {  	v12 =	vld [tilespmem:s11+$0xC070];
	v8 =	vadd.s32 v11, v8  }
0x26d: {  	v11 =	vld [tilespmem:s31+$0xC020];
	[tilespmem:s19+$0x10] =	vst v8;
	v6 =	vadd.s32 v6, v10  }
0x26e: {  	v10 =	vld [tilespmem:s16+$0x4020];
	[tilespmem:s18+$0x70] =	vst v6  }
0x26f: {  	v6 =	vmul.u32 $0x2710, v7;
	v7 =	vld [tilespmem:s15+$0x4400]  }
0x270: {  	v8 =	vmul.u32 $0x2710, v9;
	v9 =	vld [tilespmem:s16+$0xC020]  }
0x271: {  	v6 =	vadd.s32 v12, v6;
	v12 =	vld [tilespmem:s15+$0xC400]  }
0x272: {  	v8 =	vadd.s32 v11, v8;
	[tilespmem:s8+$0xFFFFFFA8] =	vst v6;
	v6 =	vld [tilespmem:s22+$0x4000]  }
.Ltmp3:
0x273: {  	[tilespmem:s28+$0xFFFFFF58] =	vst v8;
	v8 =	vld [tilespmem:s11+$0x4400];
	v11 =	vmul.u32 $0x2710, v10;
	(pc) =	sbr.rel @p2 .LBB2_8-.Ltmp3, $4  }
0x274: {  	v10 =	vld [tilespmem:s31+$0xC030];
	v13 =	vmul.u32 $0x2710, v7  }
0x275: {  	v7 =	vld [tilespmem:s11+$0xC400];
	v9 =	vadd.s32 v9, v11  }
0x276: {  	s12 =	sand.u32 $0x3FF8, s26;
	s26 =	smov.u32 s29;
	v11 =	vld [tilespmem:s31+$0x4030];
	[tilespmem:s19+$0x20] =	vst v9;
	v12 =	vadd.s32 v12, v13  }
0x277: {  	s30 =	sadd.s32 $0x100, s30;
	v9 =	vld [tilespmem:s16+$0x4030];
	[tilespmem:s12+$0x13280] =	vst v12  }
0x278: {  	_ =	sdelay $0x2  }
0x279: {  	v11 =	vmul.u32 $0x2710, v11;
	_ =	sdelay $0x1  }
0x27a: {  	v10 =	vadd.s32 v10, v11  }
0x27b: {  	[tilespmem:s28+$0xFFFFFF68] =	vst v10  }
0x27c: {  	v10 =	vld [tilespmem:s31+$0x4040];
	_ =	sdelay $0x1  }
0x27d: {  	v21 =	vld [tilespmem:s31+$0xC040];
	_ =	sdelay $0x2  }
0x27e: {  	v10 =	vmul.u32 $0x2710, v10;
	_ =	sdelay $0x1  }
0x27f: {  	v10 =	vadd.s32 v21, v10  }
0x280: {  	[tilespmem:s0+$0xFFFFFF78] =	vst v10  }
0x281: {  	v10 =	vld [tilespmem:s31+$0x4050];
	_ =	sdelay $0x1  }
0x282: {  	v22 =	vld [tilespmem:s31+$0xC050];
	_ =	sdelay $0x2  }
0x283: {  	v10 =	vmul.u32 $0x2710, v10;
	_ =	sdelay $0x1  }
0x284: {  	v10 =	vadd.s32 v22, v10  }
0x285: {  	[tilespmem:s0+$0xFFFFFF88] =	vst v10  }
0x286: {  	v10 =	vld [tilespmem:s31+$0x4060];
	_ =	sdelay $0x1  }
0x287: {  	v23 =	vld [tilespmem:s31+$0xC060];
	_ =	sdelay $0x2  }
0x288: {  	v10 =	vmul.u32 $0x2710, v10;
	_ =	sdelay $0x1  }
0x289: {  	v10 =	vadd.s32 v23, v10  }
0x28a: {  	[tilespmem:s0+$0xFFFFFF98] =	vst v10  }
0x28b: {  	v10 =	vld [tilespmem:s31+$0x4070];
	_ =	sdelay $0x1  }
0x28c: {  	v24 =	vld [tilespmem:s31+$0xC070];
	_ =	sdelay $0x2  }
0x28d: {  	v10 =	vmul.u32 $0x2710, v10;
	_ =	sdelay $0x1  }
0x28e: {  	v10 =	vadd.s32 v24, v10  }
0x28f: {  	[tilespmem:s0+$0xFFFFFFA8] =	vst v10  }
0x290: {  	v10 =	vld [tilespmem:s31+$0x4400]  }
0x291: {  	v8 =	vmul.u32 $0x2710, v8;
	s28 =	sadd.s32 $0x190, s29  }
0x292: {  	s1 =	sadd.s32 $0xFFFFFF38, s28;
	v25 =	vld [tilespmem:s31+$0xC400]  }
0x293: {  	v7 =	vadd.s32 v7, v8;
	s1 =	sand.u32 $0x3FF0, s1  }
0x294: {  	[tilespmem:s1+$0x13280] =	vst v7  }
0x295: {  	s7 =	sadd.s32 $0x190, s28;
	v26 =	vld [tilespmem:s11+$0x4410];
	v10 =	vmul.u32 $0x2710, v10  }
0x296: {  	s30 =	sadd.s32 $0xFFFFFF38, s7  }
0x297: {  	s1 =	sand.u32 $0x3FF0, s30;
	v27 =	vld [tilespmem:s11+$0xC410];
	v7 =	vadd.s32 v25, v10  }
0x298: {  	[tilespmem:s1+$0x13280] =	vst v7  }
0x299: {  	v7 =	vld [tilespmem:s31+$0x4410]  }
0x29a: {  	v8 =	vmul.u32 $0x2710, v26  }
0x29b: {  	v28 =	vld [tilespmem:s31+$0xC410]  }
0x29c: {  	v8 =	vadd.s32 v27, v8  }
0x29d: {  	[tilespmem:s8+$0xFFFFFFC8] =	vst v8  }
0x29e: {  	v29 =	vld [tilespmem:s11+$0x4420];
	v7 =	vmul.u32 $0x2710, v7;
	_ =	sdelay $0x1  }
0x29f: {  	v30 =	vld [tilespmem:s11+$0xC420];
	v7 =	vadd.s32 v28, v7  }
0x2a0: {  	[tilespmem:s0+$0xFFFFFFC8] =	vst v7  }
0x2a1: {  	v7 =	vld [tilespmem:s31+$0x4420]  }
0x2a2: {  	v31 =	vmul.u32 $0x2710, v29  }
0x2a3: {  	v32 =	vld [tilespmem:s31+$0xC420]  }
0x2a4: {  	v8 =	vadd.s32 v30, v31  }
0x2a5: {  	[tilespmem:s8+$0xFFFFFFD8] =	vst v8  }
0x2a6: {  	v33 =	vld [tilespmem:s11+$0x4430];
	v7 =	vmul.u32 $0x2710, v7;
	_ =	sdelay $0x1  }
0x2a7: {  	v34 =	vld [tilespmem:s11+$0xC430];
	v7 =	vadd.s32 v32, v7  }
0x2a8: {  	s2 =	sand.u32 $0x380, s2;
	[tilespmem:s0+$0xFFFFFFD8] =	vst v7  }
0x2a9: {  	s1 =	sor.u32 s13, s2;
	v7 =	vld [tilespmem:s31+$0x4430]  }
0x2aa: {  	v35 =	vmul.u32 $0x2710, v33;
	v12 =	vld [tilespmem:s1+$0x4000]  }
0x2ab: {  	v36 =	vld [tilespmem:s31+$0xC430]  }
0x2ac: {  	v37 =	vmul.u32 $0x2710, v6;
	v8 =	vadd.s32 v34, v35  }
0x2ad: {  	s12 =	sor.u32 $0x4440, s11;
	[tilespmem:s8+$0xFFFFFFE8] =	vst v8;
	v38 =	vld [tilespmem:s1+$0xC000]  }
0x2ae: {  	v5 =	vadd.s32 v5, v37;
	v8 =	vld.msk [tilespmem:s12+$0x0], $0xff;
	s13 =	sor.u32 $0xC440, s11;
	v7 =	vmul.u32 $0x2710, v7  }
0x2af: {  	v6 =	vld.msk [tilespmem:s13+$0x0], $0xff;
	[tilespmem:s8+$0x0] =	vst v5  }
0x2b0: {  	v40 =	vld [tilespmem:s22+$0x4010];
	v12 =	vmul.u32 $0x2710, v12;
	v39 =	vadd.s32 v36, v7  }
0x2b1: {  	s14 =	sor.u32 $0x4440, s31;
	v13 =	vld [tilespmem:s22+$0xC010];
	[tilespmem:s0+$0xFFFFFFE8] =	vst v39  }
0x2b2: {  	s21 =	sor.u32 $0xC440, s31;
	v11 =	vadd.s32 v38, v12;
	v7 =	vld.msk [tilespmem:s14+$0x0], $0xff  }
0x2b3: {  	v5 =	vld.msk [tilespmem:s21+$0x0], $0xff;
	[tilespmem:s0+$0x0] =	vst v11  }
0x2b4: {  	v11 =	vld [tilespmem:s1+$0x4010]  }
0x2b5: {  	v10 =	vmul.u32 $0x2710, v40  }
0x2b6: {  	v41 =	vld [tilespmem:s1+$0xC010]  }
0x2b7: {  	v10 =	vadd.s32 v13, v10  }
0x2b8: {  	[tilespmem:s8+$0x10] =	vst v10  }
0x2b9: {  	v10 =	vld [tilespmem:s22+$0x4020];
	v11 =	vmul.u32 $0x2710, v11;
	_ =	sdelay $0x1  }
0x2ba: {  	v42 =	vld [tilespmem:s22+$0xC020];
	v11 =	vadd.s32 v41, v11  }
0x2bb: {  	[tilespmem:s0+$0x10] =	vst v11  }
0x2bc: {  	v11 =	vld [tilespmem:s1+$0x4020]  }
0x2bd: {  	v43 =	vld [tilespmem:s16+$0xC030];
	v10 =	vmul.u32 $0x2710, v10  }
0x2be: {  	v14 =	vld [tilespmem:s1+$0xC020]  }
0x2bf: {  	v10 =	vadd.s32 v42, v10  }
0x2c0: {  	v9 =	vmul.u32 $0x2710, v9;
	[tilespmem:s8+$0x20] =	vst v10  }
0x2c1: {  	v10 =	vld [tilespmem:s22+$0x4030];
	v11 =	vmul.u32 $0x2710, v11  }
0x2c2: {  	v9 =	vadd.s32 v43, v9  }
0x2c3: {  	[tilespmem:s19+$0x30] =	vst v9;
	v44 =	vld [tilespmem:s22+$0xC030];
	v11 =	vadd.s32 v14, v11  }
0x2c4: {  	v45 =	vld [tilespmem:s16+$0x4040];
	[tilespmem:s0+$0x20] =	vst v11  }
0x2c5: {  	v11 =	vld [tilespmem:s1+$0x4030]  }
0x2c6: {  	v46 =	vld [tilespmem:s16+$0xC040];
	v10 =	vmul.u32 $0x2710, v10  }
0x2c7: {  	v47 =	vld [tilespmem:s1+$0xC030]  }
0x2c8: {  	v9 =	vadd.s32 v44, v10  }
0x2c9: {  	v48 =	vmul.u32 $0x2710, v45;
	[tilespmem:s8+$0x30] =	vst v9  }
0x2ca: {  	v9 =	vld [tilespmem:s22+$0x4040];
	v11 =	vmul.u32 $0x2710, v11  }
0x2cb: {  	v10 =	vadd.s32 v46, v48  }
0x2cc: {  	[tilespmem:s19+$0x40] =	vst v10;
	v49 =	vld [tilespmem:s22+$0xC040];
	v11 =	vadd.s32 v47, v11  }
0x2cd: {  	v50 =	vld [tilespmem:s16+$0x4050];
	[tilespmem:s0+$0x30] =	vst v11  }
0x2ce: {  	v11 =	vld [tilespmem:s1+$0x4040]  }
0x2cf: {  	v51 =	vld [tilespmem:s16+$0xC050];
	v9 =	vmul.u32 $0x2710, v9  }
0x2d0: {  	v52 =	vld [tilespmem:s1+$0xC040]  }
0x2d1: {  	v9 =	vadd.s32 v49, v9  }
0x2d2: {  	v53 =	vld [tilespmem:s15+$0x4410];
	v12 =	vmul.u32 $0x2710, v50;
	[tilespmem:s8+$0x40] =	vst v9  }
0x2d3: {  	v9 =	vld [tilespmem:s22+$0x4050];
	v11 =	vmul.u32 $0x2710, v11  }
0x2d4: {  	v15 =	vld [tilespmem:s15+$0xC410];
	v12 =	vadd.s32 v51, v12  }
0x2d5: {  	[tilespmem:s19+$0x50] =	vst v12;
	v54 =	vld [tilespmem:s22+$0xC050];
	v11 =	vadd.s32 v52, v11  }
0x2d6: {  	v55 =	vld [tilespmem:s16+$0x4060];
	[tilespmem:s0+$0x40] =	vst v11  }
0x2d7: {  	v10 =	vmul.u32 $0x2710, v53;
	v11 =	vld [tilespmem:s1+$0x4050]  }
0x2d8: {  	v56 =	vld [tilespmem:s16+$0xC060];
	v9 =	vmul.u32 $0x2710, v9  }
0x2d9: {  	v10 =	vadd.s32 v15, v10;
	v57 =	vld [tilespmem:s1+$0xC050]  }
0x2da: {  	[tilespmem:s18+$0x90] =	vst v10;
	v9 =	vadd.s32 v54, v9  }
0x2db: {  	v10 =	vld [tilespmem:s15+$0x4420];
	v58 =	vmul.u32 $0x2710, v55;
	[tilespmem:s8+$0x50] =	vst v9  }
0x2dc: {  	v9 =	vld [tilespmem:s22+$0x4060];
	v11 =	vmul.u32 $0x2710, v11  }
0x2dd: {  	v59 =	vld [tilespmem:s15+$0xC420];
	v12 =	vadd.s32 v56, v58  }
0x2de: {  	[tilespmem:s19+$0x60] =	vst v12;
	v60 =	vld [tilespmem:s22+$0xC060];
	v11 =	vadd.s32 v57, v11  }
0x2df: {  	v61 =	vld [tilespmem:s16+$0x4070];
	[tilespmem:s0+$0x50] =	vst v11  }
0x2e0: {  	v11 =	vld [tilespmem:s1+$0x4060]  }
0x2e1: {  	v62 =	vld [tilespmem:s16+$0xC070];
	v9 =	vmul.u32 $0x2710, v9  }
0x2e2: {  	v10 =	vmul.u32 $0x2710, v10;
	v16 =	vld [tilespmem:s1+$0xC060]  }
0x2e3: {  	v17 =	vld [tilespmem:s10+$0xC430];
	v9 =	vadd.s32 v60, v9  }
0x2e4: {  	v63 =	vld [tilespmem:s10+$0x4430];
	v10 =	vadd.s32 v59, v10;
	v19 =	vmul.u32 $0x2710, v61;
	[tilespmem:s8+$0x60] =	vst v9  }
0x2e5: {  	[tilespmem:s18+$0xA0] =	vst v10;
	v9 =	vld [tilespmem:s22+$0x4070];
	v20 =	vmul.u32 $0x2710, v11  }
0x2e6: {  	v21 =	vld [tilespmem:s15+$0x4430];
	v13 =	vadd.s32 v62, v19  }
0x2e7: {  	[tilespmem:s19+$0x70] =	vst v13;
	v22 =	vld [tilespmem:s22+$0xC070];
	v10 =	vadd.s32 v16, v20  }
0x2e8: {  	v23 =	vld [tilespmem:s16+$0x4400];
	[tilespmem:s0+$0x60] =	vst v10  }
0x2e9: {  	v10 =	vld [tilespmem:s1+$0x4070]  }
0x2ea: {  	v24 =	vld [tilespmem:s16+$0xC400];
	v9 =	vmul.u32 $0x2710, v9  }
0x2eb: {  	v25 =	vld [tilespmem:s1+$0xC070]  }
0x2ec: {  	v9 =	vadd.s32 v22, v9  }
0x2ed: {  	v2 =	vmul.u32 $0x2710, v2;
	v26 =	vld [tilespmem:s15+$0xC430];
	v14 =	vmul.u32 $0x2710, v23;
	[tilespmem:s8+$0x70] =	vst v9  }
0x2ee: {  	v12 =	vmul.u32 $0x2710, v63;
	v9 =	vld [tilespmem:s22+$0x4400];
	v10 =	vmul.u32 $0x2710, v10  }
0x2ef: {  	s26 =	sand.u32 $0x3FF8, s26;
	v1 =	vadd.s32 v2, v1;
	v37 =	vld [tilespmem:s9+$0xC430];
	v14 =	vadd.s32 v24, v14  }
0x2f0: {  	v2 =	vmul.u32 $0x2710, v21;
	v12 =	vadd.s32 v12, v17;
	[tilespmem:s26+$0x13280] =	vst v14;
	v27 =	vld [tilespmem:s22+$0xC400];
	v10 =	vadd.s32 v25, v10  }
0x2f1: {  	v1 =	vperm.xlane v1, v0;
	v12 =	vperm.xlane v12, v0;
	v14 =	vld [tilespmem:s16+$0x4410];
	[tilespmem:s0+$0x70] =	vst v10  }
0x2f2: {  	v2 =	vadd.s32 v26, v2;
	v10 =	vld [tilespmem:s1+$0x4400]  }
0x2f3: {  	[tilespmem:s18+$0xB0] =	vst v2;
	v1 =	vsel vm0, v12, v1;
	v2 =	vld [tilespmem:s16+$0xC410];
	v9 =	vmul.u32 $0x2710, v9  }
0x2f4: {  	[tilespmem:s18+$0xFFFFFFF0] =	vst v1;
	v1 =	vld [tilespmem:s1+$0xC400]  }
0x2f5: {  	s30 =	sand.u32 $0x3FF8, s28;
	v38 =	vld [tilespmem:s9+$0x4430];
	v9 =	vadd.s32 v27, v9  }
0x2f6: {  	v44 =	vld [tilespmem:s31+$0x4430];
	v30 =	vmul.u32 $0x2710, v14;
	[tilespmem:s30+$0x13280] =	vst v9  }
0x2f7: {  	v31 =	vld [tilespmem:s22+$0x4410];
	v10 =	vmul.u32 $0x2710, v10  }
0x2f8: {  	v46 =	vld [tilespmem:s31+$0xC430];
	v2 =	vadd.s32 v2, v30  }
0x2f9: {  	s10 =	sand.u32 $0x3FF8, s7;
	[tilespmem:s19+$0x90] =	vst v2;
	v2 =	vld [tilespmem:s22+$0xC410];
	v1 =	vadd.s32 v1, v10  }
0x2fa: {  	[tilespmem:s10+$0x13280] =	vst v1;
	v1 =	vld [tilespmem:s16+$0x4420]  }
0x2fb: {  	v33 =	vld [tilespmem:s1+$0x4410]  }
0x2fc: {  	v34 =	vld [tilespmem:s16+$0xC420];
	v13 =	vmul.u32 $0x2710, v31  }
0x2fd: {  	v35 =	vld [tilespmem:s1+$0xC410]  }
0x2fe: {  	v29 =	vld [tilespmem:s15+$0x4430];
	v2 =	vadd.s32 v2, v13  }
0x2ff: {  	v32 =	vld [tilespmem:s15+$0xC430];
	[tilespmem:s8+$0x90] =	vst v2;
	v1 =	vmul.u32 $0x2710, v1  }
0x300: {  	v2 =	vld [tilespmem:s22+$0x4420];
	v10 =	vmul.u32 $0x2710, v33  }
0x301: {  	v19 =	vld [tilespmem:s11+$0x4430];
	v1 =	vadd.s32 v34, v1  }
0x302: {  	[tilespmem:s19+$0xA0] =	vst v1;
	v1 =	vld [tilespmem:s22+$0xC420];
	v10 =	vadd.s32 v35, v10  }
0x303: {  	v39 =	vld [tilespmem:s16+$0x4430];
	[tilespmem:s0+$0x90] =	vst v10  }
0x304: {  	v4 =	vmul.u32 $0x2710, v4;
	v17 =	vmul.u32 $0x2710, v38;
	v10 =	vld [tilespmem:s1+$0x4420]  }
0x305: {  	v2 =	vmul.u32 $0x2710, v2;
	v40 =	vld [tilespmem:s16+$0xC430]  }
0x306: {  	v3 =	vadd.s32 v4, v3;
	v41 =	vadd.s32 v17, v37;
	v18 =	vld [tilespmem:s1+$0xC420]  }
0x307: {  	v3 =	vperm.xlane v3, v0;
	s29 =	sor.u32 $0x4440, s15;
	v11 =	vperm.xlane v41, v0;
	v1 =	vadd.s32 v1, v2;
	v2 =	vld [tilespmem:s11+$0xC430]  }
0x308: {  	v28 =	vld.msk [tilespmem:s29+$0x0], $0xff;
	[tilespmem:s8+$0xA0] =	vst v1;
	v1 =	vmul.u32 $0x2710, v39  }
0x309: {  	s12 =	sor.u32 $0xC440, s15;
	v3 =	vsel vm0, v11, v3;
	v42 =	vld [tilespmem:s22+$0x4430];
	v10 =	vmul.u32 $0x2710, v10  }
0x30a: {  	v8 =	vmul.u32 $0x2710, v8;
	v36 =	vld.msk [tilespmem:s12+$0x0], $0xff;
	v45 =	vmul.u32 $0x2710, v19;
	[tilespmem:s19+$0xFFFFFFF0] =	vst v3;
	v1 =	vadd.s32 v40, v1  }
0x30b: {  	s13 =	sor.u32 $0x4440, s16;
	v43 =	vld [tilespmem:s22+$0xC430];
	[tilespmem:s19+$0xB0] =	vst v1;
	v1 =	vadd.s32 v18, v10  }
0x30c: {  	v6 =	vadd.s32 v8, v6;
	[tilespmem:s0+$0xA0] =	vst v1;
	v3 =	vld.msk [tilespmem:s13+$0x0], $0xff;
	v2 =	vadd.s32 v45, v2  }
0x30d: {  	v6 =	vperm.xlane v6, v0;
	v1 =	vld [tilespmem:s1+$0x4430];
	v2 =	vperm.xlane v2, v0  }
0x30e: {  	v7 =	vmul.u32 $0x2710, v7;
	v10 =	vmul.u32 $0x2710, v44;
	v48 =	vld [tilespmem:s16+$0x4430];
	v4 =	vmul.u32 $0x2710, v42  }
0x30f: {  	v47 =	vld [tilespmem:s1+$0xC430];
	v2 =	vsel vm0, v2, v6  }
0x310: {  	s14 =	sor.u32 $0xC440, s16;
	v5 =	vadd.s32 v7, v5;
	v49 =	vld [tilespmem:s16+$0xC430];
	v4 =	vadd.s32 v43, v4;
	[tilespmem:s8+$0xFFFFFFF0] =	vst v2;
	v2 =	vadd.s32 v10, v46  }
0x311: {  	v5 =	vperm.xlane v5, v0;
	s15 =	sor.u32 $0x4440, s22;
	v50 =	vld.msk [tilespmem:s14+$0x0], $0xff;
	[tilespmem:s8+$0xB0] =	vst v4;
	v2 =	vperm.xlane v2, v0  }
0x312: {  	v1 =	vmul.u32 $0x2710, v1;
	v51 =	vld.msk [tilespmem:s15+$0x0], $0xff  }
0x313: {  	v52 =	vld [tilespmem:s22+$0x4430];
	v2 =	vsel vm0, v2, v5  }
0x314: {  	s16 =	sor.u32 $0xC440, s22;
	v53 =	vld [tilespmem:s22+$0xC430];
	v1 =	vadd.s32 v47, v1;
	[tilespmem:s0+$0xFFFFFFF0] =	vst v2  }
0x315: {  	s21 =	sor.u32 $0x4440, s1;
	v54 =	vmul.u32 $0x2710, v28;
	v11 =	vmul.u32 $0x2710, v48;
	v55 =	vld.msk [tilespmem:s16+$0x0], $0xff;
	[tilespmem:s0+$0xB0] =	vst v1  }
0x316: {  	v3 =	vmul.u32 $0x2710, v3;
	v1 =	vmul.u32 $0x2710, v29;
	v2 =	vld.msk [tilespmem:s21+$0x0], $0xff  }
0x317: {  	v5 =	vadd.s32 v54, v36;
	v59 =	vadd.s32 v11, v49;
	v56 =	vld [tilespmem:s1+$0x4430]  }
0x318: {  	v3 =	vadd.s32 v3, v50;
	v57 =	vld [tilespmem:s1+$0xC430];
	s1 =	sor.u32 $0xC440, s1;
	v1 =	vadd.s32 v1, v32;
	v60 =	vmul.u32 $0x2710, v52  }
0x319: {  	v5 =	vperm.xlane v5, v0;
	v58 =	vld.msk [tilespmem:s1+$0x0], $0xff;
	v62 =	vmul.u32 $0x2710, v51;
	v1 =	vperm.xlane v1, v0  }
0x31a: {  	v61 =	vperm.xlane v59, v0;
	v3 =	vperm.xlane v3, v0;
	v6 =	vadd.s32 v60, v53  }
0x31b: {  	v1 =	vsel vm0, v1, v5;
	v5 =	vadd.s32 v62, v55;
	v6 =	vperm.xlane v6, v0  }
0x31c: {  	v63 =	vmul.u32 $0x2710, v56;
	v2 =	vmul.u32 $0x2710, v2;
	v5 =	vperm.xlane v5, v0  }
0x31d: {  	[tilespmem:s18+$0xB8] =	vst v1;
	v1 =	vsel vm0, v61, v3  }
0x31e: {  	[tilespmem:s19+$0xB8] =	vst v1;
	v7 =	vadd.s32 v63, v57;
	v2 =	vadd.s32 v2, v58;
	v1 =	vsel vm0, v6, v5  }
0x31f: {  	v3 =	vperm.xlane v7, v0;
	v2 =	vperm.xlane v2, v0;
	[tilespmem:s8+$0xB8] =	vst v1  }
0x320: {  	s1 =	rddreg [dreg:$0x9]  }
0x321: {  	v1 =	vsel vm0, v3, v2;
	s1 =	sadd.s32 @!p0 s17, s1  }
0x322: {  	s7 =	simm.s32 @!p0 $0x4000;
	s2 =	simm.s32 @!p0 $0x0;
	[tilespmem:s0+$0xB8] =	vst v1;
	s0 =	sadd.s32 @!p0 s5, s1  }
0x323: {  	[tilespmem:s7], [sflag:$0x2] =	stream.linear.gather @!p0 [hbm4b:s0+s2], $0x4000, $0x38;
	[tilespmem:$0x1C800] =	vst v63  }
0x324: {  	s0 =	sadd.s32 @!p0 s6, s1;
	s1 =	simm.s32 @!p0 $0xC000  }
0x325: {  	[tilespmem:s1], [sflag:$0x2] =	stream.linear.gather @!p0 [hbm4b:s0+s2], $0x4000, $0x38;
	[tilespmem:$0x1C800] =	vst v63  }
0x326: {  	s22 =	sshll.u32 s3, $0x7;
	_ =	swait.ge [sflag:s25], $0x3200  }
0x327: {  	s0 =	sadd.s32 s23, s22;
	[sflag:s25] =	ssyncset.done $0x0  }
0x328: {  	s0 =	smul.u32 $0x19, s0;
	[sflag:s25] =	ssyncadd.s32 $0xFFFFCE00  }
0x329: {  	s28 =	simm.s32 $0x16400;
	s3 =	sadd.s32 $0x1, s3;
	s26 =	rddreg [dreg:$0x1]  }
0x32a: {  	s21 =	simm.s32 $0x0;
	p0 =	sne.s32 s3, $0x4;
	s0 =	sadd.s32 s26, s0  }
0x32b: {  	[hbm4b:s0+s21] =	stream.linear.scatter [tilespmem:s28], [sflag:$0x5], $0x3200, $0x38;
	[tilespmem:$0x1C800] =	vst v63  }
.Ltmp4:
0x32c: {  	s0 =	simm.s32 @!p1 $0x6;
	(pc) =	sbr.rel @p0 .LBB2_2-.Ltmp4, $4  }
0x32d: {  	_ =	swait.ge @!p1 [sflag:s0], $0x3200  }
0x32e: {  	s31 =	simm.s32 $0x19600;
	[sflag:s0] =	ssyncset.done @!p1 $0x0  }
0x32f: {  	s29 =	simm.s32 $0x3200;
	s30 =	simm.s32 $0x13200;
	[sflag:s0] =	ssyncadd.s32 @!p1 $0xFFFFCE00  }
0x330: {  	[tilespmem:s31], [sflag:$0x4] =	stream.indirect.gather [hbm4b:s4+s29], $0x1, s30, s29, $0xb8;
	[tilespmem:$0x1C800] =	vst v63  }
0x331: {  	s0 =	simm.s32 $0x4  }
0x332: {  	_ =	swait.ge [sflag:s0], $0x3200  }
0x333: {  	s1 =	simm.s32 $0x19600;
	[sflag:s0] =	ssyncset.done $0x0  }
0x334: {  	s29 =	simm.s32 $0x5;
	s28 =	rddreg [dreg:$0xa];
	[sflag:s0] =	ssyncadd.s32 $0xFFFFCE00  }
0x335: {  	[hbm4b:s28+s21] =	stream.linear.scatter [tilespmem:s1], [sflag:$0x6], $0x3200, $0x38;
	[tilespmem:$0x1C800] =	vst v63  }
0x336: {  	_ =	swait.ge [sflag:s29], $0x3200  }
0x337: {  	[sflag:s29] =	ssyncset.done $0x0  }
0x338: {  	s30 =	simm.s32 $0x6;
	[sflag:s29] =	ssyncadd.s32 $0xFFFFCE00  }
0x339: {  	_ =	swait.ge [sflag:s30], $0x3200  }
0x33a: {  	s2 =	rddreg [dreg:$0xc]  }
0x33b: {  	s31 =	rddreg [dreg:$0xb];
	s2 =	sadd.s32 $0x1, s2  }
0x33c: {  	p0 =	sne.s32 s2, s31  }
.Ltmp5:
0x33d: {  	_ = 	snop;
	(pc) =	sbr.rel @p0 .LBB2_1-.Ltmp5, $3  }
0x33e: {  	_ =	sdelay $0x1  }
0x33f: {  	[sflag:s30] =	ssyncset.done $0x0  }
0x340: {  	[sflag:s30] =	ssyncadd.s32 $0xFFFFCE00  }
0x341: {  	_ =	sfence.sel $0x180000  }
0x342: {  	[bflag:$0x0] =	sbarrier.arrive $0xFFFF  }
0x343: {  	_ =	strace $0x90000047  }
0x344: {  	s0 =	stileid.u32;
	[bflag:$0x2] =	sbarrier.arrive $0xFFFF  }
0x345: {  	p0 =	sne.s32 s0, $0x0;
	s0 =	rddreg [dreg:$0x2]  }
0x346: {  	s0 =	sadd.s32 @!p0 $0x100000, s0  }
0x347: {  	[sflag:s0] =	ssyncadd.tile.s32 @!p0 $0x1;
	_ =	shalt  }
.Lfunc_end2:
_tile_overlayer_lowered:
.L_overlay_start_2:
0x348: {  	(tag) =	ssettag $0x2  }
0x349: {  	s0 =	rddreg [dreg:$0x0];
	s2 =	stileid.u32  }
0x34a: {  	s1 =	rddreg [dreg:$0x1];
	p0 =	sne.s32 s2, $0x0  }
0x34b: {  	s3 =	rddreg [dreg:$0x2];
	[bflag:$0x3] =	sbarrier.arrive $0xFFFF;
	s2 =	simm.s32 @!p0 $0x1C07  }
0x34c: {  	[timem:s3], [sflag:s2] =	dma.local @!p0 [hbm:s0], s1  }
0x34d: {  	s0 =	simm.s32 @!p0 $0x7  }
0x34e: {  	_ =	swait.ge @!p0 [sflag:s0], s1  }
0x34f: {  	s1 =	ssub.s32 @!p0 $0x0, s1;
	[sflag:s0] =	ssyncset.done @!p0 $0x0  }
0x350: {  	[sflag:s0] =	ssyncadd.s32 @!p0 s1  }
0x351: {  	[bflag:$0x3] =	sbarrier.arrive $0xFFFF  }
0x352: {  	_ =	shalt  }

</sc_bundles>
